<compile_context>
chip_gen: v7x
topology: tpu7x:2x2x1
jax: 0.10.2.dev20260603
libtpu: 0.0.44.dev20260713+nightly
codegen_flags: <defaults>
</compile_context>

<pallas_src>
import functools

import jax
import jax.numpy as jnp
from jax import lax
from jax.experimental import pallas as pl
from jax.experimental.pallas import tpu as pltpu
from jax.experimental.pallas import tpu_sc as plsc

MARGIN = 0.6
NSC = 2
LANES = 16
SC_CORES = 2
SC_SUBCORES = 16



def _tc_body(val_ref, idxo_ref, syb_ref, att_ref, out_ref):
    blocks = att_ref.shape[0]
    v = syb_ref.shape[1]

    vrow = val_ref[0]
    iorow = idxo_ref[0]

    citer = lax.broadcasted_iota(jnp.int32, (v, v), 0)
    ovt = (jnp.broadcast_to(vrow, (v, v)) == citer).astype(jnp.float32)
    oit = (jnp.broadcast_to(iorow, (v, v)) == citer).astype(jnp.float32)

    eq = lax.dot_general(ovt, ovt, (((0,), (0,)), ((), ())),
                         preferred_element_type=jnp.float32)
    lprime = lax.broadcasted_iota(jnp.int32, (v, v), 1)
    first = jnp.min(jnp.where(eq > 0.5, lprime, v), axis=1, keepdims=True)
    lidx = lax.broadcasted_iota(jnp.int32, (v, 1), 0)
    m = (first == lidx).astype(jnp.float32)

    sybsign = 1.0 - 2.0 * syb_ref[0].astype(jnp.float32)
    gs = lax.dot_general(oit, sybsign, (((0,), (0,)), ((), ())),
                         preferred_element_type=jnp.float32)

    partial = jnp.float32(0.0)
    for b in range(blocks):
        d = jnp.sum(att_ref[b, 0] * gs, axis=1, keepdims=True)
        partial += jnp.sum(jnp.maximum(d + MARGIN, 0.0) * m)
    nfirst = jnp.sum(m)
    partial += blocks * (v - nfirst) * MARGIN

    tile = jnp.full((8, 128), partial, dtype=jnp.float32)
    i = pl.program_id(0)

    @pl.when(i == 0)
    def _init():
        out_ref[...] = tile

    @pl.when(i > 0)
    def _acc():
        out_ref[...] += tile


def _tc_partial(idx_of_objs, valid2all, syb_graph, att_weights, nsc):
    blocks, bsz, v, s = att_weights.shape
    nb = bsz - nsc
    val3 = valid2all.reshape(bsz, 1, v)
    idx3 = idx_of_objs.reshape(bsz, 1, v)

    out = pl.pallas_call(
        _tc_body,
        grid=(nb,),
        in_specs=[
            pl.BlockSpec((1, 1, v), lambda i: (i + nsc, 0, 0)),
            pl.BlockSpec((1, 1, v), lambda i: (i + nsc, 0, 0)),
            pl.BlockSpec((1, v, s), lambda i: (i + nsc, 0, 0)),
            pl.BlockSpec((blocks, 1, v, s), lambda i: (0, i + nsc, 0, 0)),
        ],
        out_specs=pl.BlockSpec((8, 128), lambda i: (0, 0)),
        out_shape=jax.ShapeDtypeStruct((8, 128), jnp.float32),
    )(val3, idx3, syb_graph, att_weights)
    return out[0, 0]



def _prep_body(val_ref, idxo_ref, syb_ref, m_ref, gs_ref):
    v = syb_ref.shape[1]
    vrow = val_ref[0]
    iorow = idxo_ref[0]

    citer = lax.broadcasted_iota(jnp.int32, (v, v), 0)
    ovt = (jnp.broadcast_to(vrow, (v, v)) == citer).astype(jnp.float32)
    oit = (jnp.broadcast_to(iorow, (v, v)) == citer).astype(jnp.float32)

    eq = lax.dot_general(ovt, ovt, (((0,), (0,)), ((), ())),
                         preferred_element_type=jnp.float32)
    lp0 = lax.broadcasted_iota(jnp.int32, (v, v), 0)
    first = jnp.min(jnp.where(eq > 0.5, lp0, v), axis=0, keepdims=True)
    laneio = lax.broadcasted_iota(jnp.int32, (1, v), 1)
    m_ref[0] = (first == laneio).astype(jnp.float32)

    sybsign = 1.0 - 2.0 * syb_ref[0].astype(jnp.float32)
    gs_ref[0] = lax.dot_general(oit, sybsign, (((0,), (0,)), ((), ())),
                                preferred_element_type=jnp.float32)


def _tc_prep(idx_of_objs, valid2all, syb_graph, att_weights, nsc):
    blocks, bsz, v, s = att_weights.shape
    val3 = valid2all.reshape(bsz, 1, v)
    idx3 = idx_of_objs.reshape(bsz, 1, v)

    mask, signs = pl.pallas_call(
        _prep_body,
        grid=(nsc,),
        in_specs=[
            pl.BlockSpec((1, 1, v), lambda i: (i, 0, 0)),
            pl.BlockSpec((1, 1, v), lambda i: (i, 0, 0)),
            pl.BlockSpec((1, v, s), lambda i: (i, 0, 0)),
        ],
        out_specs=[
            pl.BlockSpec((1, 1, v), lambda i: (i, 0, 0)),
            pl.BlockSpec((1, v, s), lambda i: (i, 0, 0)),
        ],
        out_shape=[
            jax.ShapeDtypeStruct((nsc, 1, v), jnp.float32),
            jax.ShapeDtypeStruct((nsc, v, s), jnp.float32),
        ],
    )(val3, idx3, syb_graph)
    return mask.reshape(-1), signs.reshape(-1)



def _sc_partial(mask_flat, signs_flat, att_weights, nsc):
    blocks, bsz, v, s = att_weights.shape
    nw = SC_CORES * SC_SUBCORES
    cl = (nsc * v) // nw
    assert cl <= LANES and cl % 8 == 0 and v % cl == 0
    att_flat = att_weights.reshape(-1)

    mesh = plsc.VectorSubcoreMesh(core_axis_name="c", subcore_axis_name="s",
                                  num_cores=SC_CORES,
                                  num_subcores=SC_SUBCORES)

    @functools.partial(
        pl.kernel,
        out_type=jax.ShapeDtypeStruct((nw, LANES), jnp.float32),
        mesh=mesh,
        scratch_types=[
            pltpu.VMEM((2 * LANES,), jnp.float32),
            pltpu.VMEM((2 * LANES,), jnp.float32),
            pltpu.VMEM((cl * s,), jnp.float32),
            pltpu.VMEM((cl * s,), jnp.float32),
            pltpu.VMEM((cl * s,), jnp.float32),
            pltpu.VMEM((LANES,), jnp.float32),
            pltpu.SemaphoreType.DMA,
            pltpu.SemaphoreType.DMA,
            pltpu.SemaphoreType.DMA,
        ],
    )
    def sc_kernel(mask_hbm, sign_hbm, att_hbm, out_hbm,
                  msk_vm, red_vm, sgn_vm, att_a, att_b,
                  res_vm, sem_g, sem_a, sem_b):
        wid = lax.axis_index("s") * SC_CORES + lax.axis_index("c")
        base = wid * cl

        zv = jnp.zeros((LANES,), jnp.float32)
        msk_vm[pl.ds(0, LANES)] = zv
        msk_vm[pl.ds(LANES, LANES)] = zv
        red_vm[pl.ds(LANES, LANES)] = zv
        pltpu.sync_copy(mask_hbm.at[pl.ds(base, cl)],
                        msk_vm.at[pl.ds(0, cl)])

        h_s = pltpu.async_copy(sign_hbm.at[pl.ds(base * s, cl * s)],
                               sgn_vm, sem_g)
        att_bufs = (att_a, att_b)
        att_sems = (sem_a, sem_b)
        handles = [None, None]
        handles[0] = pltpu.async_copy(
            att_hbm.at[pl.ds(base * s, cl * s)], att_bufs[0], att_sems[0])
        h_s.wait()

        lane = lax.iota(jnp.int32, LANES)
        e0f = (1 - jnp.minimum(lane, 1)).astype(jnp.float32)

        def k_body(att_ref, add_unfilled, k, lacc):
            def dot_body(c, accs):
                accs = list(accs)
                for u in range(8):
                    off = (c * 8 + u) * LANES
                    a = att_ref[pl.ds(k * s + off, LANES)]
                    sg = sgn_vm[pl.ds(k * s + off, LANES)]
                    accs[u % 4] = accs[u % 4] + a * sg
                return tuple(accs)

            zf = jnp.zeros((LANES,), jnp.float32)
            a0, a1, a2, a3 = lax.fori_loop(0, s // (8 * LANES), dot_body,
                                           (zf, zf, zf, zf))
            acc = (a0 + a1) + (a2 + a3)
            for sh in (8, 4, 2, 1):
                red_vm[pl.ds(0, LANES)] = acc
                acc = acc + red_vm[pl.ds(sh, LANES)]
            mk = msk_vm[pl.ds(k, LANES)]
            contrib = jnp.maximum(acc + MARGIN, 0.0) * e0f * mk
            if add_unfilled:
                contrib = contrib + (blocks * MARGIN) * e0f * (1.0 - mk)
            return lacc + contrib

        lacc = jnp.zeros((LANES,), jnp.float32)
        for blk in range(blocks):
            handles[blk % 2].wait()
            if blk + 1 < blocks:
                handles[(blk + 1) % 2] = pltpu.async_copy(
                    att_hbm.at[pl.ds(((blk + 1) * bsz * v + base) * s,
                                     cl * s)],
                    att_bufs[(blk + 1) % 2], att_sems[(blk + 1) % 2])
            lacc = lax.fori_loop(
                0, cl,
                functools.partial(k_body, att_bufs[blk % 2], blk == 0),
                lacc)

        res_vm[...] = lacc
        pltpu.sync_copy(res_vm, out_hbm.at[wid])

    out = sc_kernel(mask_flat, signs_flat, att_flat)
    return jnp.sum(out)



def kernel(idx_of_objs, valid2all, syb_graph, att_weights, vis_len):
    del vis_len
    blocks, bsz, v, s = att_weights.shape
    nsc = NSC

    partial = _tc_partial(idx_of_objs, valid2all, syb_graph, att_weights, nsc)
    if nsc > 0:
        mask_flat, signs_flat = _tc_prep(idx_of_objs, valid2all, syb_graph,
                                         att_weights, nsc)
        partial = partial + _sc_partial(mask_flat, signs_flat,
                                        att_weights, nsc)
    total = jnp.float32(blocks * bsz * v)
    return partial / total

# --- scband reference (transcript-rebuilt; emitter-appended) ---
"""Pipeline reference for scband-attmilloss-87531433492561 (READ-ONLY COPY).

The authoritative reference and input builder live on the scoring server;
editing this copy changes nothing except your own understanding.
"""

import jax, jax.numpy as jnp
import numpy as np

BLOCKS, B, V, S = 4, 16, 128, 2048
MARGIN = 0.6


def setup_inputs(seed: int = 0) -> dict:
    key = jax.random.key(seed)
    k1, k2, k3, k4, k5 = jax.random.split(key, 5)
    idx_of_objs = jax.random.randint(k1, (B, V), 0, V)
    valid2all = jax.random.randint(k2, (B, V), 0, V)
    syb_graph = jax.random.randint(k3, (B, V, S), 0, 2)
    att_weights = jax.random.normal(k4, (BLOCKS, B, V, S), dtype=jnp.float32)
    vis_len = jax.random.randint(k5, (B,), 0, V)
    return {"idx_of_objs": idx_of_objs, "valid2all": valid2all, "syb_graph": syb_graph, "att_weights": att_weights, "vis_len": vis_len}


def _loss(idx_of_objs, valid2all, syb_graph, att_weights):
    # Faithful vectorization of the original python loops. MarginRankingLoss with
    # reduction='mean' is order-independent over the pos_ws/neg_ws buffers, so the
    # sequential id ordering does not matter; only which (b, i, j) slots get filled.
    blocks, bsz, v, s = att_weights.shape
    n_rows = syb_graph.shape[1]
    # eq[i, l, j] = (valid2all[i, l] == j)
    eq = valid2all[:, :, None] == jnp.arange(v)[None, None, :]
    present = eq.any(axis=1)                      # [B, V]: j in valid2all[i]
    j_pos = jnp.argmax(eq, axis=1)                # [B, V]: first occurrence index j_
    obj_idx = jnp.take_along_axis(idx_of_objs, j_pos, axis=1)          # [B, V]
    idx_rows = syb_graph[jnp.arange(bsz)[:, None], obj_idx, :]         # [B, V, S]
    att_rows = jnp.take_along_axis(att_weights, j_pos[None, :, :, None], axis=2)  # [blocks, B, V, S]
    pos_mask = (idx_rows > 0).astype(att_rows.dtype)[None]
    neg_mask = (idx_rows == 0).astype(att_rows.dtype)[None]
    pos_w = jnp.sum(att_rows * pos_mask, axis=-1)  # [blocks, B, V]
    neg_w = jnp.sum(att_rows * neg_mask, axis=-1)  # [blocks, B, V]
    per = jnp.maximum(neg_w - pos_w + MARGIN, 0.0)  # margin ranking, target=+1
    maskf = present[None].astype(per.dtype)
    total = blocks * bsz * n_rows                  # buffer length blocks*B*syb_graph[0].size(0)
    filled = jnp.sum(per * maskf)
    n_filled = blocks * jnp.sum(present).astype(per.dtype)
    # unfilled buffer slots have pos=neg=0 -> contribute max(0, margin) = margin each
    loss = (filled + (total - n_filled) * MARGIN) / total
    return loss


def reference(idx_of_objs, valid2all, syb_graph, att_weights, vis_len):
    return _loss(idx_of_objs, valid2all, syb_graph, att_weights)

if __name__ == "__main__":
    import jax
    _d = setup_inputs()
    print(jax.jit(kernel)(*tuple(_d.values())))

</pallas_src>

<mosaic_0001>
#map = affine_map<(d0, d1) -> (0)>
#map1 = affine_map<(d0, d1) -> (0, 0)>
module attributes {stable_mosaic.version = 14 : i64} {
  func.func @sc_kernel(%arg0: i32, %arg1: i32, %arg2: memref<256xf32, #tpu.memory_space<hbm>>, %arg3: memref<524288xf32, #tpu.memory_space<hbm>>, %arg4: memref<16777216xf32, #tpu.memory_space<hbm>>, %arg5: memref<32x16xf32, #tpu.memory_space<hbm>>, %arg6: memref<32xf32, #tpu.memory_space<vmem>>, %arg7: memref<32xf32, #tpu.memory_space<vmem>>, %arg8: memref<16384xf32, #tpu.memory_space<vmem>>, %arg9: memref<16384xf32, #tpu.memory_space<vmem>>, %arg10: memref<16384xf32, #tpu.memory_space<vmem>>, %arg11: memref<16xf32, #tpu.memory_space<vmem>>, %arg12: memref<!tpu.dma_semaphore, #tpu.memory_space<semaphore_mem>>, %arg13: memref<!tpu.dma_semaphore, #tpu.memory_space<semaphore_mem>>, %arg14: memref<!tpu.dma_semaphore, #tpu.memory_space<semaphore_mem>>) attributes {dimension_semantics = [#tpu.dimension_semantics<core_parallel>, #tpu.dimension_semantics<subcore_parallel>], iteration_bounds = array<i64: 2, 16>, scalar_prefetch = 0 : i64, scratch_operands = 9 : i64, tpu.core_type = #tpu.core_type<sc_vector_subcore>, window_params = [{transform_indices = #map}, {transform_indices = #map}, {transform_indices = #map}, {transform_indices = #map1}]} {
    %mul3A = arith.constant 2 : i32
    %mul3A_0 = arith.muli %arg1, %mul3A : i32
    %add3A = arith.addi %mul3A_0, %arg0 : i32
    %mul3A_1 = arith.constant 8 : i32
    %mul3A_2 = arith.muli %add3A, %mul3A_1 : i32
    %broadcast_in_dim3A = arith.constant 0.000000e+00 : f32
    %broadcast_in_dim3A_3 = vector.broadcast %broadcast_in_dim3A : f32 to vector<16xf32>
    %swap3A = arith.constant 0 : index
    %swap3A_4 = tpu.vector_load %arg6[%swap3A] {strides = array<i32>} : memref<32xf32, #tpu.memory_space<vmem>>, vector<16xf32>,
    %swap3A_5 = vector.shape_cast %swap3A_4 : vector<16xf32> to vector<16xf32>
    %swap3A_6 = vector.shape_cast %broadcast_in_dim3A_3 : vector<16xf32> to vector<16xf32>
    tpu.vector_store %arg6[%swap3A], %swap3A_6 {strides = array<i32>} : memref<32xf32, #tpu.memory_space<vmem>>, vector<16xf32>,
    %swap3A_7 = arith.constant 16 : index
    %swap3A_8 = tpu.vector_load %arg6[%swap3A_7] {strides = array<i32>} : memref<32xf32, #tpu.memory_space<vmem>>, vector<16xf32>,
    %swap3A_9 = vector.shape_cast %swap3A_8 : vector<16xf32> to vector<16xf32>
    %swap3A_10 = vector.shape_cast %broadcast_in_dim3A_3 : vector<16xf32> to vector<16xf32>
    tpu.vector_store %arg6[%swap3A_7], %swap3A_10 {strides = array<i32>} : memref<32xf32, #tpu.memory_space<vmem>>, vector<16xf32>,
    %swap3A_11 = arith.constant 16 : index
    %swap3A_12 = tpu.vector_load %arg7[%swap3A_11] {strides = array<i32>} : memref<32xf32, #tpu.memory_space<vmem>>, vector<16xf32>,
    %swap3A_13 = vector.shape_cast %swap3A_12 : vector<16xf32> to vector<16xf32>
    %swap3A_14 = vector.shape_cast %broadcast_in_dim3A_3 : vector<16xf32> to vector<16xf32>
    tpu.vector_store %arg7[%swap3A_11], %swap3A_14 {strides = array<i32>} : memref<32xf32, #tpu.memory_space<vmem>>, vector<16xf32>,
    "tpu.region"() ({
      %run_scoped3A = tpu.sem_alloc : memref<!tpu.dma_semaphore, #tpu.memory_space<semaphore_mem>>
      %dma_start3A_82 = arith.constant 0 : i32
      %dma_start3A_83 = tpu.memref_slice %arg6[%dma_start3A_82] : memref<32xf32, #tpu.memory_space<vmem>> -> memref<8xf32, #tpu.memory_space<vmem>>
      %dma_start3A_84 = tpu.memref_slice %arg2[%mul3A_2] : memref<256xf32, #tpu.memory_space<hbm>> -> memref<8xf32, #tpu.memory_space<hbm>>
      %dma_start3A_85 = arith.constant 0 : i32
      %dma_start3A_86 = tpu.memref_slice %arg6[%dma_start3A_85] : memref<32xf32, #tpu.memory_space<vmem>> -> memref<8xf32, #tpu.memory_space<vmem>>
      %dma_start3A_87 = tpu.memref_slice %arg2[%mul3A_2] : memref<256xf32, #tpu.memory_space<hbm>> -> memref<8xf32, #tpu.memory_space<hbm>>
      tpu.enqueue_dma source(%dma_start3A_87 : memref<8xf32, #tpu.memory_space<hbm>>) target(%dma_start3A_86 : memref<8xf32, #tpu.memory_space<vmem>>) target_semaphore(%run_scoped3A : memref<!tpu.dma_semaphore, #tpu.memory_space<semaphore_mem>>)
      %dma_wait3A_88 = arith.constant 0 : i32
      %dma_wait3A_89 = tpu.memref_slice %arg6[%dma_wait3A_88] : memref<32xf32, #tpu.memory_space<vmem>> -> memref<8xf32, #tpu.memory_space<vmem>>
      %dma_wait3A_90 = tpu.memref_slice %arg2[%mul3A_2] : memref<256xf32, #tpu.memory_space<hbm>> -> memref<8xf32, #tpu.memory_space<hbm>>
      %dma_wait3A_91 = arith.constant 0 : i32
      %dma_wait3A_92 = tpu.memref_slice %arg6[%dma_wait3A_91] : memref<32xf32, #tpu.memory_space<vmem>> -> memref<8xf32, #tpu.memory_space<vmem>>
      %dma_wait3A_93 = tpu.memref_slice %arg2[%mul3A_2] : memref<256xf32, #tpu.memory_space<hbm>> -> memref<8xf32, #tpu.memory_space<hbm>>
      tpu.wait_dma2 semaphore(%run_scoped3A : memref<!tpu.dma_semaphore, #tpu.memory_space<semaphore_mem>>) src(%dma_wait3A_93 : memref<8xf32, #tpu.memory_space<hbm>>) dst(%dma_wait3A_92 : memref<8xf32, #tpu.memory_space<vmem>>)
      tpu.yield
    }) : () -> ()
    %mul3A_15 = arith.constant 2048 : i32
    %mul3A_16 = arith.muli %mul3A_2, %mul3A_15 : i32
    %dma_start3A = tpu.memref_slice %arg3[%mul3A_16] : memref<524288xf32, #tpu.memory_space<hbm>> -> memref<16384xf32, #tpu.memory_space<hbm>>
    %dma_start3A_17 = tpu.memref_slice %arg3[%mul3A_16] : memref<524288xf32, #tpu.memory_space<hbm>> -> memref<16384xf32, #tpu.memory_space<hbm>>
    tpu.enqueue_dma source(%dma_start3A_17 : memref<16384xf32, #tpu.memory_space<hbm>>) target(%arg8 : memref<16384xf32, #tpu.memory_space<vmem>>) target_semaphore(%arg12 : memref<!tpu.dma_semaphore, #tpu.memory_space<semaphore_mem>>)
    %mul3A_18 = arith.constant 2048 : i32
    %mul3A_19 = arith.muli %mul3A_2, %mul3A_18 : i32
    %dma_start3A_20 = tpu.memref_slice %arg4[%mul3A_19] : memref<16777216xf32, #tpu.memory_space<hbm>> -> memref<16384xf32, #tpu.memory_space<hbm>>
    %dma_start3A_21 = tpu.memref_slice %arg4[%mul3A_19] : memref<16777216xf32, #tpu.memory_space<hbm>> -> memref<16384xf32, #tpu.memory_space<hbm>>
    tpu.enqueue_dma source(%dma_start3A_21 : memref<16384xf32, #tpu.memory_space<hbm>>) target(%arg9 : memref<16384xf32, #tpu.memory_space<vmem>>) target_semaphore(%arg13 : memref<!tpu.dma_semaphore, #tpu.memory_space<semaphore_mem>>)
    %dma_wait3A = tpu.memref_slice %arg3[%mul3A_16] : memref<524288xf32, #tpu.memory_space<hbm>> -> memref<16384xf32, #tpu.memory_space<hbm>>
    %dma_wait3A_22 = tpu.memref_slice %arg3[%mul3A_16] : memref<524288xf32, #tpu.memory_space<hbm>> -> memref<16384xf32, #tpu.memory_space<hbm>>
    tpu.wait_dma2 semaphore(%arg12 : memref<!tpu.dma_semaphore, #tpu.memory_space<semaphore_mem>>) src(%dma_wait3A_22 : memref<16384xf32, #tpu.memory_space<hbm>>) dst(%arg8 : memref<16384xf32, #tpu.memory_space<vmem>>)
    %iota3A = tpu.iota {dimensions = array<i32: 0>} : vector<16xi32>
    %min3A = arith.constant 1 : i32
    %min3A_23 = vector.broadcast %min3A : i32 to vector<16xi32>
    %min3A_24 = arith.minsi %iota3A, %min3A_23 : vector<16xi32>
    %sub3A = arith.constant 1 : i32
    %sub3A_25 = vector.broadcast %sub3A : i32 to vector<16xi32>
    %sub3A_26 = arith.subi %sub3A_25, %min3A_24 : vector<16xi32>
    %convert_element_type3A = arith.sitofp %sub3A_26 : vector<16xi32> to vector<16xf32>
    %broadcast_in_dim3A_27 = arith.constant 0.000000e+00 : f32
    %broadcast_in_dim3A_28 = vector.broadcast %broadcast_in_dim3A_27 : f32 to vector<16xf32>
    %dma_wait3A_29 = tpu.memref_slice %arg4[%mul3A_19] : memref<16777216xf32, #tpu.memory_space<hbm>> -> memref<16384xf32, #tpu.memory_space<hbm>>
    %dma_wait3A_30 = tpu.memref_slice %arg4[%mul3A_19] : memref<16777216xf32, #tpu.memory_space<hbm>> -> memref<16384xf32, #tpu.memory_space<hbm>>
    tpu.wait_dma2 semaphore(%arg13 : memref<!tpu.dma_semaphore, #tpu.memory_space<semaphore_mem>>) src(%dma_wait3A_30 : memref<16384xf32, #tpu.memory_space<hbm>>) dst(%arg9 : memref<16384xf32, #tpu.memory_space<vmem>>)
    %add3A_31 = arith.constant 2048 : i32
    %add3A_32 = arith.addi %add3A_31, %mul3A_2 : i32
    %mul3A_33 = arith.constant 2048 : i32
    %mul3A_34 = arith.muli %add3A_32, %mul3A_33 : i32
    %dma_start3A_35 = tpu.memref_slice %arg4[%mul3A_34] : memref<16777216xf32, #tpu.memory_space<hbm>> -> memref<16384xf32, #tpu.memory_space<hbm>>
    %dma_start3A_36 = tpu.memref_slice %arg4[%mul3A_34] : memref<16777216xf32, #tpu.memory_space<hbm>> -> memref<16384xf32, #tpu.memory_space<hbm>>
    tpu.enqueue_dma source(%dma_start3A_36 : memref<16384xf32, #tpu.memory_space<hbm>>) target(%arg10 : memref<16384xf32, #tpu.memory_space<vmem>>) target_semaphore(%arg14 : memref<!tpu.dma_semaphore, #tpu.memory_space<semaphore_mem>>)
    %scan3A = arith.constant 0 : i32
    %scan3A_37 = arith.constant 8 : i32
    %scan3A_38 = arith.addi %scan3A, %scan3A_37 : i32
    %scan3A_39 = arith.constant 1 : i32
    %scan3A_40 = scf.for %scan3A_82 = %scan3A to %scan3A_38 step %scan3A_39 iter_args(%scan3A_83 = %broadcast_in_dim3A_28) -> (vector<16xf32>)  : i32 {
      %broadcast_in_dim3A_84 = arith.constant 0.000000e+00 : f32
      %broadcast_in_dim3A_85 = vector.broadcast %broadcast_in_dim3A_84 : f32 to vector<16xf32>
      %scan3A_86 = arith.constant 0 : i32
      %scan3A_87 = arith.constant 16 : i32
      %scan3A_88 = arith.addi %scan3A_86, %scan3A_87 : i32
      %scan3A_89 = arith.constant 1 : i32
      %scan3A_90:4 = scf.for %scan3A_145 = %scan3A_86 to %scan3A_88 step %scan3A_89 iter_args(%scan3A_146 = %broadcast_in_dim3A_85, %scan3A_147 = %broadcast_in_dim3A_85, %scan3A_148 = %broadcast_in_dim3A_85, %scan3A_149 = %broadcast_in_dim3A_85) -> (vector<16xf32>, vector<16xf32>, vector<16xf32>, vector<16xf32>)  : i32 {
        %mul3A_150 = arith.constant 8 : i32
        %mul3A_151 = arith.muli %scan3A_145, %mul3A_150 : i32
        %add3A_152 = arith.constant 0 : i32
        %add3A_153 = arith.addi %mul3A_151, %add3A_152 : i32
        %mul3A_154 = arith.constant 16 : i32
        %mul3A_155 = arith.muli %add3A_153, %mul3A_154 : i32
        %mul3A_156 = arith.constant 2048 : i32
        %mul3A_157 = arith.muli %scan3A_82, %mul3A_156 : i32
        %add3A_158 = arith.addi %mul3A_157, %mul3A_155 : i32
        %get3A_159 = arith.index_cast %add3A_158 : i32 to index
        %get3A_160 = tpu.vector_load %arg9[%get3A_159] {strides = array<i32>} : memref<16384xf32, #tpu.memory_space<vmem>>, vector<16xf32>,
        %get3A_161 = vector.shape_cast %get3A_160 : vector<16xf32> to vector<16xf32>
        %mul3A_162 = arith.constant 2048 : i32
        %mul3A_163 = arith.muli %scan3A_82, %mul3A_162 : i32
        %add3A_164 = arith.addi %mul3A_163, %mul3A_155 : i32
        %get3A_165 = arith.index_cast %add3A_164 : i32 to index
        %get3A_166 = tpu.vector_load %arg8[%get3A_165] {strides = array<i32>} : memref<16384xf32, #tpu.memory_space<vmem>>, vector<16xf32>,
        %get3A_167 = vector.shape_cast %get3A_166 : vector<16xf32> to vector<16xf32>
        %mul3A_168 = arith.mulf %get3A_161, %get3A_167 : vector<16xf32>
        %add3A_169 = arith.addf %scan3A_146, %mul3A_168 : vector<16xf32>
        %mul3A_170 = arith.constant 8 : i32
        %mul3A_171 = arith.muli %scan3A_145, %mul3A_170 : i32
        %add3A_172 = arith.constant 1 : i32
        %add3A_173 = arith.addi %mul3A_171, %add3A_172 : i32
        %mul3A_174 = arith.constant 16 : i32
        %mul3A_175 = arith.muli %add3A_173, %mul3A_174 : i32
        %mul3A_176 = arith.constant 2048 : i32
        %mul3A_177 = arith.muli %scan3A_82, %mul3A_176 : i32
        %add3A_178 = arith.addi %mul3A_177, %mul3A_175 : i32
        %get3A_179 = arith.index_cast %add3A_178 : i32 to index
        %get3A_180 = tpu.vector_load %arg9[%get3A_179] {strides = array<i32>} : memref<16384xf32, #tpu.memory_space<vmem>>, vector<16xf32>,
        %get3A_181 = vector.shape_cast %get3A_180 : vector<16xf32> to vector<16xf32>
        %mul3A_182 = arith.constant 2048 : i32
        %mul3A_183 = arith.muli %scan3A_82, %mul3A_182 : i32
        %add3A_184 = arith.addi %mul3A_183, %mul3A_175 : i32
        %get3A_185 = arith.index_cast %add3A_184 : i32 to index
        %get3A_186 = tpu.vector_load %arg8[%get3A_185] {strides = array<i32>} : memref<16384xf32, #tpu.memory_space<vmem>>, vector<16xf32>,
        %get3A_187 = vector.shape_cast %get3A_186 : vector<16xf32> to vector<16xf32>
        %mul3A_188 = arith.mulf %get3A_181, %get3A_187 : vector<16xf32>
        %add3A_189 = arith.addf %scan3A_147, %mul3A_188 : vector<16xf32>
        %mul3A_190 = arith.constant 8 : i32
        %mul3A_191 = arith.muli %scan3A_145, %mul3A_190 : i32
        %add3A_192 = arith.constant 2 : i32
        %add3A_193 = arith.addi %mul3A_191, %add3A_192 : i32
        %mul3A_194 = arith.constant 16 : i32
        %mul3A_195 = arith.muli %add3A_193, %mul3A_194 : i32
        %mul3A_196 = arith.constant 2048 : i32
        %mul3A_197 = arith.muli %scan3A_82, %mul3A_196 : i32
        %add3A_198 = arith.addi %mul3A_197, %mul3A_195 : i32
        %get3A_199 = arith.index_cast %add3A_198 : i32 to index
        %get3A_200 = tpu.vector_load %arg9[%get3A_199] {strides = array<i32>} : memref<16384xf32, #tpu.memory_space<vmem>>, vector<16xf32>,
        %get3A_201 = vector.shape_cast %get3A_200 : vector<16xf32> to vector<16xf32>
        %mul3A_202 = arith.constant 2048 : i32
        %mul3A_203 = arith.muli %scan3A_82, %mul3A_202 : i32
        %add3A_204 = arith.addi %mul3A_203, %mul3A_195 : i32
        %get3A_205 = arith.index_cast %add3A_204 : i32 to index
        %get3A_206 = tpu.vector_load %arg8[%get3A_205] {strides = array<i32>} : memref<16384xf32, #tpu.memory_space<vmem>>, vector<16xf32>,
        %get3A_207 = vector.shape_cast %get3A_206 : vector<16xf32> to vector<16xf32>
        %mul3A_208 = arith.mulf %get3A_201, %get3A_207 : vector<16xf32>
        %add3A_209 = arith.addf %scan3A_148, %mul3A_208 : vector<16xf32>
        %mul3A_210 = arith.constant 8 : i32
        %mul3A_211 = arith.muli %scan3A_145, %mul3A_210 : i32
        %add3A_212 = arith.constant 3 : i32
        %add3A_213 = arith.addi %mul3A_211, %add3A_212 : i32
        %mul3A_214 = arith.constant 16 : i32
        %mul3A_215 = arith.muli %add3A_213, %mul3A_214 : i32
        %mul3A_216 = arith.constant 2048 : i32
        %mul3A_217 = arith.muli %scan3A_82, %mul3A_216 : i32
        %add3A_218 = arith.addi %mul3A_217, %mul3A_215 : i32
        %get3A_219 = arith.index_cast %add3A_218 : i32 to index
        %get3A_220 = tpu.vector_load %arg9[%get3A_219] {strides = array<i32>} : memref<16384xf32, #tpu.memory_space<vmem>>, vector<16xf32>,
        %get3A_221 = vector.shape_cast %get3A_220 : vector<16xf32> to vector<16xf32>
        %mul3A_222 = arith.constant 2048 : i32
        %mul3A_223 = arith.muli %scan3A_82, %mul3A_222 : i32
        %add3A_224 = arith.addi %mul3A_223, %mul3A_215 : i32
        %get3A_225 = arith.index_cast %add3A_224 : i32 to index
        %get3A_226 = tpu.vector_load %arg8[%get3A_225] {strides = array<i32>} : memref<16384xf32, #tpu.memory_space<vmem>>, vector<16xf32>,
        %get3A_227 = vector.shape_cast %get3A_226 : vector<16xf32> to vector<16xf32>
        %mul3A_228 = arith.mulf %get3A_221, %get3A_227 : vector<16xf32>
        %add3A_229 = arith.addf %scan3A_149, %mul3A_228 : vector<16xf32>
        %mul3A_230 = arith.constant 8 : i32
        %mul3A_231 = arith.muli %scan3A_145, %mul3A_230 : i32
        %add3A_232 = arith.constant 4 : i32
        %add3A_233 = arith.addi %mul3A_231, %add3A_232 : i32
        %mul3A_234 = arith.constant 16 : i32
        %mul3A_235 = arith.muli %add3A_233, %mul3A_234 : i32
        %mul3A_236 = arith.constant 2048 : i32
        %mul3A_237 = arith.muli %scan3A_82, %mul3A_236 : i32
        %add3A_238 = arith.addi %mul3A_237, %mul3A_235 : i32
        %get3A_239 = arith.index_cast %add3A_238 : i32 to index
        %get3A_240 = tpu.vector_load %arg9[%get3A_239] {strides = array<i32>} : memref<16384xf32, #tpu.memory_space<vmem>>, vector<16xf32>,
        %get3A_241 = vector.shape_cast %get3A_240 : vector<16xf32> to vector<16xf32>
        %mul3A_242 = arith.constant 2048 : i32
        %mul3A_243 = arith.muli %scan3A_82, %mul3A_242 : i32
        %add3A_244 = arith.addi %mul3A_243, %mul3A_235 : i32
        %get3A_245 = arith.index_cast %add3A_244 : i32 to index
        %get3A_246 = tpu.vector_load %arg8[%get3A_245] {strides = array<i32>} : memref<16384xf32, #tpu.memory_space<vmem>>, vector<16xf32>,
        %get3A_247 = vector.shape_cast %get3A_246 : vector<16xf32> to vector<16xf32>
        %mul3A_248 = arith.mulf %get3A_241, %get3A_247 : vector<16xf32>
        %add3A_249 = arith.addf %add3A_169, %mul3A_248 : vector<16xf32>
        %mul3A_250 = arith.constant 8 : i32
        %mul3A_251 = arith.muli %scan3A_145, %mul3A_250 : i32
        %add3A_252 = arith.constant 5 : i32
        %add3A_253 = arith.addi %mul3A_251, %add3A_252 : i32
        %mul3A_254 = arith.constant 16 : i32
        %mul3A_255 = arith.muli %add3A_253, %mul3A_254 : i32
        %mul3A_256 = arith.constant 2048 : i32
        %mul3A_257 = arith.muli %scan3A_82, %mul3A_256 : i32
        %add3A_258 = arith.addi %mul3A_257, %mul3A_255 : i32
        %get3A_259 = arith.index_cast %add3A_258 : i32 to index
        %get3A_260 = tpu.vector_load %arg9[%get3A_259] {strides = array<i32>} : memref<16384xf32, #tpu.memory_space<vmem>>, vector<16xf32>,
        %get3A_261 = vector.shape_cast %get3A_260 : vector<16xf32> to vector<16xf32>
        %mul3A_262 = arith.constant 2048 : i32
        %mul3A_263 = arith.muli %scan3A_82, %mul3A_262 : i32
        %add3A_264 = arith.addi %mul3A_263, %mul3A_255 : i32
        %get3A_265 = arith.index_cast %add3A_264 : i32 to index
        %get3A_266 = tpu.vector_load %arg8[%get3A_265] {strides = array<i32>} : memref<16384xf32, #tpu.memory_space<vmem>>, vector<16xf32>,
        %get3A_267 = vector.shape_cast %get3A_266 : vector<16xf32> to vector<16xf32>
        %mul3A_268 = arith.mulf %get3A_261, %get3A_267 : vector<16xf32>
        %add3A_269 = arith.addf %add3A_189, %mul3A_268 : vector<16xf32>
        %mul3A_270 = arith.constant 8 : i32
        %mul3A_271 = arith.muli %scan3A_145, %mul3A_270 : i32
        %add3A_272 = arith.constant 6 : i32
        %add3A_273 = arith.addi %mul3A_271, %add3A_272 : i32
        %mul3A_274 = arith.constant 16 : i32
        %mul3A_275 = arith.muli %add3A_273, %mul3A_274 : i32
        %mul3A_276 = arith.constant 2048 : i32
        %mul3A_277 = arith.muli %scan3A_82, %mul3A_276 : i32
        %add3A_278 = arith.addi %mul3A_277, %mul3A_275 : i32
        %get3A_279 = arith.index_cast %add3A_278 : i32 to index
        %get3A_280 = tpu.vector_load %arg9[%get3A_279] {strides = array<i32>} : memref<16384xf32, #tpu.memory_space<vmem>>, vector<16xf32>,
        %get3A_281 = vector.shape_cast %get3A_280 : vector<16xf32> to vector<16xf32>
        %mul3A_282 = arith.constant 2048 : i32
        %mul3A_283 = arith.muli %scan3A_82, %mul3A_282 : i32
        %add3A_284 = arith.addi %mul3A_283, %mul3A_275 : i32
        %get3A_285 = arith.index_cast %add3A_284 : i32 to index
        %get3A_286 = tpu.vector_load %arg8[%get3A_285] {strides = array<i32>} : memref<16384xf32, #tpu.memory_space<vmem>>, vector<16xf32>,
        %get3A_287 = vector.shape_cast %get3A_286 : vector<16xf32> to vector<16xf32>
        %mul3A_288 = arith.mulf %get3A_281, %get3A_287 : vector<16xf32>
        %add3A_289 = arith.addf %add3A_209, %mul3A_288 : vector<16xf32>
        %mul3A_290 = arith.constant 8 : i32
        %mul3A_291 = arith.muli %scan3A_145, %mul3A_290 : i32
        %add3A_292 = arith.constant 7 : i32
        %add3A_293 = arith.addi %mul3A_291, %add3A_292 : i32
        %mul3A_294 = arith.constant 16 : i32
        %mul3A_295 = arith.muli %add3A_293, %mul3A_294 : i32
        %mul3A_296 = arith.constant 2048 : i32
        %mul3A_297 = arith.muli %scan3A_82, %mul3A_296 : i32
        %add3A_298 = arith.addi %mul3A_297, %mul3A_295 : i32
        %get3A_299 = arith.index_cast %add3A_298 : i32 to index
        %get3A_300 = tpu.vector_load %arg9[%get3A_299] {strides = array<i32>} : memref<16384xf32, #tpu.memory_space<vmem>>, vector<16xf32>,
        %get3A_301 = vector.shape_cast %get3A_300 : vector<16xf32> to vector<16xf32>
        %mul3A_302 = arith.constant 2048 : i32
        %mul3A_303 = arith.muli %scan3A_82, %mul3A_302 : i32
        %add3A_304 = arith.addi %mul3A_303, %mul3A_295 : i32
        %get3A_305 = arith.index_cast %add3A_304 : i32 to index
        %get3A_306 = tpu.vector_load %arg8[%get3A_305] {strides = array<i32>} : memref<16384xf32, #tpu.memory_space<vmem>>, vector<16xf32>,
        %get3A_307 = vector.shape_cast %get3A_306 : vector<16xf32> to vector<16xf32>
        %mul3A_308 = arith.mulf %get3A_301, %get3A_307 : vector<16xf32>
        %add3A_309 = arith.addf %add3A_229, %mul3A_308 : vector<16xf32>
        scf.yield %add3A_249, %add3A_269, %add3A_289, %add3A_309 : vector<16xf32>, vector<16xf32>, vector<16xf32>, vector<16xf32>
      }
      %scan3A_91 = arith.constant 16 : i32
      %add3A_92 = arith.addf %scan3A_90#0, %scan3A_90#1 : vector<16xf32>
      %add3A_93 = arith.addf %scan3A_90#2, %scan3A_90#3 : vector<16xf32>
      %add3A_94 = arith.addf %add3A_92, %add3A_93 : vector<16xf32>
      %swap3A_95 = arith.constant 0 : index
      %swap3A_96 = tpu.vector_load %arg7[%swap3A_95] {strides = array<i32>} : memref<32xf32, #tpu.memory_space<vmem>>, vector<16xf32>,
      %swap3A_97 = vector.shape_cast %swap3A_96 : vector<16xf32> to vector<16xf32>
      %swap3A_98 = vector.shape_cast %add3A_94 : vector<16xf32> to vector<16xf32>
      tpu.vector_store %arg7[%swap3A_95], %swap3A_98 {strides = array<i32>} : memref<32xf32, #tpu.memory_space<vmem>>, vector<16xf32>,
      %get3A = arith.constant 8 : index
      %get3A_99 = tpu.vector_load %arg7[%get3A] {strides = array<i32>} : memref<32xf32, #tpu.memory_space<vmem>>, vector<16xf32>,
      %get3A_100 = vector.shape_cast %get3A_99 : vector<16xf32> to vector<16xf32>
      %add3A_101 = arith.addf %add3A_94, %get3A_100 : vector<16xf32>
      %swap3A_102 = arith.constant 0 : index
      %swap3A_103 = tpu.vector_load %arg7[%swap3A_102] {strides = array<i32>} : memref<32xf32, #tpu.memory_space<vmem>>, vector<16xf32>,
      %swap3A_104 = vector.shape_cast %swap3A_103 : vector<16xf32> to vector<16xf32>
      %swap3A_105 = vector.shape_cast %add3A_101 : vector<16xf32> to vector<16xf32>
      tpu.vector_store %arg7[%swap3A_102], %swap3A_105 {strides = array<i32>} : memref<32xf32, #tpu.memory_space<vmem>>, vector<16xf32>,
      %get3A_106 = arith.constant 4 : index
      %get3A_107 = tpu.vector_load %arg7[%get3A_106] {strides = array<i32>} : memref<32xf32, #tpu.memory_space<vmem>>, vector<16xf32>,
      %get3A_108 = vector.shape_cast %get3A_107 : vector<16xf32> to vector<16xf32>
      %add3A_109 = arith.addf %add3A_101, %get3A_108 : vector<16xf32>
      %swap3A_110 = arith.constant 0 : index
      %swap3A_111 = tpu.vector_load %arg7[%swap3A_110] {strides = array<i32>} : memref<32xf32, #tpu.memory_space<vmem>>, vector<16xf32>,
      %swap3A_112 = vector.shape_cast %swap3A_111 : vector<16xf32> to vector<16xf32>
      %swap3A_113 = vector.shape_cast %add3A_109 : vector<16xf32> to vector<16xf32>
      tpu.vector_store %arg7[%swap3A_110], %swap3A_113 {strides = array<i32>} : memref<32xf32, #tpu.memory_space<vmem>>, vector<16xf32>,
      %get3A_114 = arith.constant 2 : index
      %get3A_115 = tpu.vector_load %arg7[%get3A_114] {strides = array<i32>} : memref<32xf32, #tpu.memory_space<vmem>>, vector<16xf32>,
      %get3A_116 = vector.shape_cast %get3A_115 : vector<16xf32> to vector<16xf32>
      %add3A_117 = arith.addf %add3A_109, %get3A_116 : vector<16xf32>
      %swap3A_118 = arith.constant 0 : index
      %swap3A_119 = tpu.vector_load %arg7[%swap3A_118] {strides = array<i32>} : memref<32xf32, #tpu.memory_space<vmem>>, vector<16xf32>,
      %swap3A_120 = vector.shape_cast %swap3A_119 : vector<16xf32> to vector<16xf32>
      %swap3A_121 = vector.shape_cast %add3A_117 : vector<16xf32> to vector<16xf32>
      tpu.vector_store %arg7[%swap3A_118], %swap3A_121 {strides = array<i32>} : memref<32xf32, #tpu.memory_space<vmem>>, vector<16xf32>,
      %get3A_122 = arith.constant 1 : index
      %get3A_123 = tpu.vector_load %arg7[%get3A_122] {strides = array<i32>} : memref<32xf32, #tpu.memory_space<vmem>>, vector<16xf32>,
      %get3A_124 = vector.shape_cast %get3A_123 : vector<16xf32> to vector<16xf32>
      %add3A_125 = arith.addf %add3A_117, %get3A_124 : vector<16xf32>
      %get3A_126 = arith.index_cast %scan3A_82 : i32 to index
      %get3A_127 = tpu.vector_load %arg6[%get3A_126] {strides = array<i32>} : memref<32xf32, #tpu.memory_space<vmem>>, vector<16xf32>,
      %get3A_128 = vector.shape_cast %get3A_127 : vector<16xf32> to vector<16xf32>
      %add3A_129 = arith.constant 6.000000e-01 : f32
      %add3A_130 = vector.broadcast %add3A_129 : f32 to vector<16xf32>
      %add3A_131 = arith.addf %add3A_125, %add3A_130 : vector<16xf32>
      %max3A = arith.constant 0.000000e+00 : f32
      %max3A_132 = vector.broadcast %max3A : f32 to vector<16xf32>
      %max3A_133 = arith.maximumf %add3A_131, %max3A_132 : vector<16xf32>
      %mul3A_134 = arith.mulf %max3A_133, %convert_element_type3A : vector<16xf32>
      %mul3A_135 = arith.mulf %mul3A_134, %get3A_128 : vector<16xf32>
      %mul3A_136 = arith.constant 2.400000e+00 : f32
      %mul3A_137 = vector.broadcast %mul3A_136 : f32 to vector<16xf32>
      %mul3A_138 = arith.mulf %mul3A_137, %convert_element_type3A : vector<16xf32>
      %sub3A_139 = arith.constant 1.000000e+00 : f32
      %sub3A_140 = vector.broadcast %sub3A_139 : f32 to vector<16xf32>
      %sub3A_141 = arith.subf %sub3A_140, %get3A_128 : vector<16xf32>
      %mul3A_142 = arith.mulf %mul3A_138, %sub3A_141 : vector<16xf32>
      %add3A_143 = arith.addf %mul3A_135, %mul3A_142 : vector<16xf32>
      %add3A_144 = arith.addf %scan3A_83, %add3A_143 : vector<16xf32>
      scf.yield %add3A_144 : vector<16xf32>
    }
    %scan3A_41 = arith.constant 8 : i32
    %dma_wait3A_42 = tpu.memref_slice %arg4[%mul3A_34] : memref<16777216xf32, #tpu.memory_space<hbm>> -> memref<16384xf32, #tpu.memory_space<hbm>>
    %dma_wait3A_43 = tpu.memref_slice %arg4[%mul3A_34] : memref<16777216xf32, #tpu.memory_space<hbm>> -> memref<16384xf32, #tpu.memory_space<hbm>>
    tpu.wait_dma2 semaphore(%arg14 : memref<!tpu.dma_semaphore, #tpu.memory_space<semaphore_mem>>) src(%dma_wait3A_43 : memref<16384xf32, #tpu.memory_space<hbm>>) dst(%arg10 : memref<16384xf32, #tpu.memory_space<vmem>>)
    %add3A_44 = arith.constant 4096 : i32
    %add3A_45 = arith.addi %add3A_44, %mul3A_2 : i32
    %mul3A_46 = arith.constant 2048 : i32
    %mul3A_47 = arith.muli %add3A_45, %mul3A_46 : i32
    %dma_start3A_48 = tpu.memref_slice %arg4[%mul3A_47] : memref<16777216xf32, #tpu.memory_space<hbm>> -> memref<16384xf32, #tpu.memory_space<hbm>>
    %dma_start3A_49 = tpu.memref_slice %arg4[%mul3A_47] : memref<16777216xf32, #tpu.memory_space<hbm>> -> memref<16384xf32, #tpu.memory_space<hbm>>
    tpu.enqueue_dma source(%dma_start3A_49 : memref<16384xf32, #tpu.memory_space<hbm>>) target(%arg9 : memref<16384xf32, #tpu.memory_space<vmem>>) target_semaphore(%arg13 : memref<!tpu.dma_semaphore, #tpu.memory_space<semaphore_mem>>)
    %scan3A_50 = arith.constant 0 : i32
    %scan3A_51 = arith.constant 8 : i32
    %scan3A_52 = arith.addi %scan3A_50, %scan3A_51 : i32
    %scan3A_53 = arith.constant 1 : i32
    %scan3A_54 = scf.for %scan3A_82 = %scan3A_50 to %scan3A_52 step %scan3A_53 iter_args(%scan3A_83 = %scan3A_40) -> (vector<16xf32>)  : i32 {
      %broadcast_in_dim3A_84 = arith.constant 0.000000e+00 : f32
      %broadcast_in_dim3A_85 = vector.broadcast %broadcast_in_dim3A_84 : f32 to vector<16xf32>
      %scan3A_86 = arith.constant 0 : i32
      %scan3A_87 = arith.constant 16 : i32
      %scan3A_88 = arith.addi %scan3A_86, %scan3A_87 : i32
      %scan3A_89 = arith.constant 1 : i32
      %scan3A_90:4 = scf.for %scan3A_137 = %scan3A_86 to %scan3A_88 step %scan3A_89 iter_args(%scan3A_138 = %broadcast_in_dim3A_85, %scan3A_139 = %broadcast_in_dim3A_85, %scan3A_140 = %broadcast_in_dim3A_85, %scan3A_141 = %broadcast_in_dim3A_85) -> (vector<16xf32>, vector<16xf32>, vector<16xf32>, vector<16xf32>)  : i32 {
        %mul3A_142 = arith.constant 8 : i32
        %mul3A_143 = arith.muli %scan3A_137, %mul3A_142 : i32
        %add3A_144 = arith.constant 0 : i32
        %add3A_145 = arith.addi %mul3A_143, %add3A_144 : i32
        %mul3A_146 = arith.constant 16 : i32
        %mul3A_147 = arith.muli %add3A_145, %mul3A_146 : i32
        %mul3A_148 = arith.constant 2048 : i32
        %mul3A_149 = arith.muli %scan3A_82, %mul3A_148 : i32
        %add3A_150 = arith.addi %mul3A_149, %mul3A_147 : i32
        %get3A_151 = arith.index_cast %add3A_150 : i32 to index
        %get3A_152 = tpu.vector_load %arg10[%get3A_151] {strides = array<i32>} : memref<16384xf32, #tpu.memory_space<vmem>>, vector<16xf32>,
        %get3A_153 = vector.shape_cast %get3A_152 : vector<16xf32> to vector<16xf32>
        %mul3A_154 = arith.constant 2048 : i32
        %mul3A_155 = arith.muli %scan3A_82, %mul3A_154 : i32
        %add3A_156 = arith.addi %mul3A_155, %mul3A_147 : i32
        %get3A_157 = arith.index_cast %add3A_156 : i32 to index
        %get3A_158 = tpu.vector_load %arg8[%get3A_157] {strides = array<i32>} : memref<16384xf32, #tpu.memory_space<vmem>>, vector<16xf32>,
        %get3A_159 = vector.shape_cast %get3A_158 : vector<16xf32> to vector<16xf32>
        %mul3A_160 = arith.mulf %get3A_153, %get3A_159 : vector<16xf32>
        %add3A_161 = arith.addf %scan3A_138, %mul3A_160 : vector<16xf32>
        %mul3A_162 = arith.constant 8 : i32
        %mul3A_163 = arith.muli %scan3A_137, %mul3A_162 : i32
        %add3A_164 = arith.constant 1 : i32
        %add3A_165 = arith.addi %mul3A_163, %add3A_164 : i32
        %mul3A_166 = arith.constant 16 : i32
        %mul3A_167 = arith.muli %add3A_165, %mul3A_166 : i32
        %mul3A_168 = arith.constant 2048 : i32
        %mul3A_169 = arith.muli %scan3A_82, %mul3A_168 : i32
        %add3A_170 = arith.addi %mul3A_169, %mul3A_167 : i32
        %get3A_171 = arith.index_cast %add3A_170 : i32 to index
        %get3A_172 = tpu.vector_load %arg10[%get3A_171] {strides = array<i32>} : memref<16384xf32, #tpu.memory_space<vmem>>, vector<16xf32>,
        %get3A_173 = vector.shape_cast %get3A_172 : vector<16xf32> to vector<16xf32>
        %mul3A_174 = arith.constant 2048 : i32
        %mul3A_175 = arith.muli %scan3A_82, %mul3A_174 : i32
        %add3A_176 = arith.addi %mul3A_175, %mul3A_167 : i32
        %get3A_177 = arith.index_cast %add3A_176 : i32 to index
        %get3A_178 = tpu.vector_load %arg8[%get3A_177] {strides = array<i32>} : memref<16384xf32, #tpu.memory_space<vmem>>, vector<16xf32>,
        %get3A_179 = vector.shape_cast %get3A_178 : vector<16xf32> to vector<16xf32>
        %mul3A_180 = arith.mulf %get3A_173, %get3A_179 : vector<16xf32>
        %add3A_181 = arith.addf %scan3A_139, %mul3A_180 : vector<16xf32>
        %mul3A_182 = arith.constant 8 : i32
        %mul3A_183 = arith.muli %scan3A_137, %mul3A_182 : i32
        %add3A_184 = arith.constant 2 : i32
        %add3A_185 = arith.addi %mul3A_183, %add3A_184 : i32
        %mul3A_186 = arith.constant 16 : i32
        %mul3A_187 = arith.muli %add3A_185, %mul3A_186 : i32
        %mul3A_188 = arith.constant 2048 : i32
        %mul3A_189 = arith.muli %scan3A_82, %mul3A_188 : i32
        %add3A_190 = arith.addi %mul3A_189, %mul3A_187 : i32
        %get3A_191 = arith.index_cast %add3A_190 : i32 to index
        %get3A_192 = tpu.vector_load %arg10[%get3A_191] {strides = array<i32>} : memref<16384xf32, #tpu.memory_space<vmem>>, vector<16xf32>,
        %get3A_193 = vector.shape_cast %get3A_192 : vector<16xf32> to vector<16xf32>
        %mul3A_194 = arith.constant 2048 : i32
        %mul3A_195 = arith.muli %scan3A_82, %mul3A_194 : i32
        %add3A_196 = arith.addi %mul3A_195, %mul3A_187 : i32
        %get3A_197 = arith.index_cast %add3A_196 : i32 to index
        %get3A_198 = tpu.vector_load %arg8[%get3A_197] {strides = array<i32>} : memref<16384xf32, #tpu.memory_space<vmem>>, vector<16xf32>,
        %get3A_199 = vector.shape_cast %get3A_198 : vector<16xf32> to vector<16xf32>
        %mul3A_200 = arith.mulf %get3A_193, %get3A_199 : vector<16xf32>
        %add3A_201 = arith.addf %scan3A_140, %mul3A_200 : vector<16xf32>
        %mul3A_202 = arith.constant 8 : i32
        %mul3A_203 = arith.muli %scan3A_137, %mul3A_202 : i32
        %add3A_204 = arith.constant 3 : i32
        %add3A_205 = arith.addi %mul3A_203, %add3A_204 : i32
        %mul3A_206 = arith.constant 16 : i32
        %mul3A_207 = arith.muli %add3A_205, %mul3A_206 : i32
        %mul3A_208 = arith.constant 2048 : i32
        %mul3A_209 = arith.muli %scan3A_82, %mul3A_208 : i32
        %add3A_210 = arith.addi %mul3A_209, %mul3A_207 : i32
        %get3A_211 = arith.index_cast %add3A_210 : i32 to index
        %get3A_212 = tpu.vector_load %arg10[%get3A_211] {strides = array<i32>} : memref<16384xf32, #tpu.memory_space<vmem>>, vector<16xf32>,
        %get3A_213 = vector.shape_cast %get3A_212 : vector<16xf32> to vector<16xf32>
        %mul3A_214 = arith.constant 2048 : i32
        %mul3A_215 = arith.muli %scan3A_82, %mul3A_214 : i32
        %add3A_216 = arith.addi %mul3A_215, %mul3A_207 : i32
        %get3A_217 = arith.index_cast %add3A_216 : i32 to index
        %get3A_218 = tpu.vector_load %arg8[%get3A_217] {strides = array<i32>} : memref<16384xf32, #tpu.memory_space<vmem>>, vector<16xf32>,
        %get3A_219 = vector.shape_cast %get3A_218 : vector<16xf32> to vector<16xf32>
        %mul3A_220 = arith.mulf %get3A_213, %get3A_219 : vector<16xf32>
        %add3A_221 = arith.addf %scan3A_141, %mul3A_220 : vector<16xf32>
        %mul3A_222 = arith.constant 8 : i32
        %mul3A_223 = arith.muli %scan3A_137, %mul3A_222 : i32
        %add3A_224 = arith.constant 4 : i32
        %add3A_225 = arith.addi %mul3A_223, %add3A_224 : i32
        %mul3A_226 = arith.constant 16 : i32
        %mul3A_227 = arith.muli %add3A_225, %mul3A_226 : i32
        %mul3A_228 = arith.constant 2048 : i32
        %mul3A_229 = arith.muli %scan3A_82, %mul3A_228 : i32
        %add3A_230 = arith.addi %mul3A_229, %mul3A_227 : i32
        %get3A_231 = arith.index_cast %add3A_230 : i32 to index
        %get3A_232 = tpu.vector_load %arg10[%get3A_231] {strides = array<i32>} : memref<16384xf32, #tpu.memory_space<vmem>>, vector<16xf32>,
        %get3A_233 = vector.shape_cast %get3A_232 : vector<16xf32> to vector<16xf32>
        %mul3A_234 = arith.constant 2048 : i32
        %mul3A_235 = arith.muli %scan3A_82, %mul3A_234 : i32
        %add3A_236 = arith.addi %mul3A_235, %mul3A_227 : i32
        %get3A_237 = arith.index_cast %add3A_236 : i32 to index
        %get3A_238 = tpu.vector_load %arg8[%get3A_237] {strides = array<i32>} : memref<16384xf32, #tpu.memory_space<vmem>>, vector<16xf32>,
        %get3A_239 = vector.shape_cast %get3A_238 : vector<16xf32> to vector<16xf32>
        %mul3A_240 = arith.mulf %get3A_233, %get3A_239 : vector<16xf32>
        %add3A_241 = arith.addf %add3A_161, %mul3A_240 : vector<16xf32>
        %mul3A_242 = arith.constant 8 : i32
        %mul3A_243 = arith.muli %scan3A_137, %mul3A_242 : i32
        %add3A_244 = arith.constant 5 : i32
        %add3A_245 = arith.addi %mul3A_243, %add3A_244 : i32
        %mul3A_246 = arith.constant 16 : i32
        %mul3A_247 = arith.muli %add3A_245, %mul3A_246 : i32
        %mul3A_248 = arith.constant 2048 : i32
        %mul3A_249 = arith.muli %scan3A_82, %mul3A_248 : i32
        %add3A_250 = arith.addi %mul3A_249, %mul3A_247 : i32
        %get3A_251 = arith.index_cast %add3A_250 : i32 to index
        %get3A_252 = tpu.vector_load %arg10[%get3A_251] {strides = array<i32>} : memref<16384xf32, #tpu.memory_space<vmem>>, vector<16xf32>,
        %get3A_253 = vector.shape_cast %get3A_252 : vector<16xf32> to vector<16xf32>
        %mul3A_254 = arith.constant 2048 : i32
        %mul3A_255 = arith.muli %scan3A_82, %mul3A_254 : i32
        %add3A_256 = arith.addi %mul3A_255, %mul3A_247 : i32
        %get3A_257 = arith.index_cast %add3A_256 : i32 to index
        %get3A_258 = tpu.vector_load %arg8[%get3A_257] {strides = array<i32>} : memref<16384xf32, #tpu.memory_space<vmem>>, vector<16xf32>,
        %get3A_259 = vector.shape_cast %get3A_258 : vector<16xf32> to vector<16xf32>
        %mul3A_260 = arith.mulf %get3A_253, %get3A_259 : vector<16xf32>
        %add3A_261 = arith.addf %add3A_181, %mul3A_260 : vector<16xf32>
        %mul3A_262 = arith.constant 8 : i32
        %mul3A_263 = arith.muli %scan3A_137, %mul3A_262 : i32
        %add3A_264 = arith.constant 6 : i32
        %add3A_265 = arith.addi %mul3A_263, %add3A_264 : i32
        %mul3A_266 = arith.constant 16 : i32
        %mul3A_267 = arith.muli %add3A_265, %mul3A_266 : i32
        %mul3A_268 = arith.constant 2048 : i32
        %mul3A_269 = arith.muli %scan3A_82, %mul3A_268 : i32
        %add3A_270 = arith.addi %mul3A_269, %mul3A_267 : i32
        %get3A_271 = arith.index_cast %add3A_270 : i32 to index
        %get3A_272 = tpu.vector_load %arg10[%get3A_271] {strides = array<i32>} : memref<16384xf32, #tpu.memory_space<vmem>>, vector<16xf32>,
        %get3A_273 = vector.shape_cast %get3A_272 : vector<16xf32> to vector<16xf32>
        %mul3A_274 = arith.constant 2048 : i32
        %mul3A_275 = arith.muli %scan3A_82, %mul3A_274 : i32
        %add3A_276 = arith.addi %mul3A_275, %mul3A_267 : i32
        %get3A_277 = arith.index_cast %add3A_276 : i32 to index
        %get3A_278 = tpu.vector_load %arg8[%get3A_277] {strides = array<i32>} : memref<16384xf32, #tpu.memory_space<vmem>>, vector<16xf32>,
        %get3A_279 = vector.shape_cast %get3A_278 : vector<16xf32> to vector<16xf32>
        %mul3A_280 = arith.mulf %get3A_273, %get3A_279 : vector<16xf32>
        %add3A_281 = arith.addf %add3A_201, %mul3A_280 : vector<16xf32>
        %mul3A_282 = arith.constant 8 : i32
        %mul3A_283 = arith.muli %scan3A_137, %mul3A_282 : i32
        %add3A_284 = arith.constant 7 : i32
        %add3A_285 = arith.addi %mul3A_283, %add3A_284 : i32
        %mul3A_286 = arith.constant 16 : i32
        %mul3A_287 = arith.muli %add3A_285, %mul3A_286 : i32
        %mul3A_288 = arith.constant 2048 : i32
        %mul3A_289 = arith.muli %scan3A_82, %mul3A_288 : i32
        %add3A_290 = arith.addi %mul3A_289, %mul3A_287 : i32
        %get3A_291 = arith.index_cast %add3A_290 : i32 to index
        %get3A_292 = tpu.vector_load %arg10[%get3A_291] {strides = array<i32>} : memref<16384xf32, #tpu.memory_space<vmem>>, vector<16xf32>,
        %get3A_293 = vector.shape_cast %get3A_292 : vector<16xf32> to vector<16xf32>
        %mul3A_294 = arith.constant 2048 : i32
        %mul3A_295 = arith.muli %scan3A_82, %mul3A_294 : i32
        %add3A_296 = arith.addi %mul3A_295, %mul3A_287 : i32
        %get3A_297 = arith.index_cast %add3A_296 : i32 to index
        %get3A_298 = tpu.vector_load %arg8[%get3A_297] {strides = array<i32>} : memref<16384xf32, #tpu.memory_space<vmem>>, vector<16xf32>,
        %get3A_299 = vector.shape_cast %get3A_298 : vector<16xf32> to vector<16xf32>
        %mul3A_300 = arith.mulf %get3A_293, %get3A_299 : vector<16xf32>
        %add3A_301 = arith.addf %add3A_221, %mul3A_300 : vector<16xf32>
        scf.yield %add3A_241, %add3A_261, %add3A_281, %add3A_301 : vector<16xf32>, vector<16xf32>, vector<16xf32>, vector<16xf32>
      }
      %scan3A_91 = arith.constant 16 : i32
      %add3A_92 = arith.addf %scan3A_90#0, %scan3A_90#1 : vector<16xf32>
      %add3A_93 = arith.addf %scan3A_90#2, %scan3A_90#3 : vector<16xf32>
      %add3A_94 = arith.addf %add3A_92, %add3A_93 : vector<16xf32>
      %swap3A_95 = arith.constant 0 : index
      %swap3A_96 = tpu.vector_load %arg7[%swap3A_95] {strides = array<i32>} : memref<32xf32, #tpu.memory_space<vmem>>, vector<16xf32>,
      %swap3A_97 = vector.shape_cast %swap3A_96 : vector<16xf32> to vector<16xf32>
      %swap3A_98 = vector.shape_cast %add3A_94 : vector<16xf32> to vector<16xf32>
      tpu.vector_store %arg7[%swap3A_95], %swap3A_98 {strides = array<i32>} : memref<32xf32, #tpu.memory_space<vmem>>, vector<16xf32>,
      %get3A = arith.constant 8 : index
      %get3A_99 = tpu.vector_load %arg7[%get3A] {strides = array<i32>} : memref<32xf32, #tpu.memory_space<vmem>>, vector<16xf32>,
      %get3A_100 = vector.shape_cast %get3A_99 : vector<16xf32> to vector<16xf32>
      %add3A_101 = arith.addf %add3A_94, %get3A_100 : vector<16xf32>
      %swap3A_102 = arith.constant 0 : index
      %swap3A_103 = tpu.vector_load %arg7[%swap3A_102] {strides = array<i32>} : memref<32xf32, #tpu.memory_space<vmem>>, vector<16xf32>,
      %swap3A_104 = vector.shape_cast %swap3A_103 : vector<16xf32> to vector<16xf32>
      %swap3A_105 = vector.shape_cast %add3A_101 : vector<16xf32> to vector<16xf32>
      tpu.vector_store %arg7[%swap3A_102], %swap3A_105 {strides = array<i32>} : memref<32xf32, #tpu.memory_space<vmem>>, vector<16xf32>,
      %get3A_106 = arith.constant 4 : index
      %get3A_107 = tpu.vector_load %arg7[%get3A_106] {strides = array<i32>} : memref<32xf32, #tpu.memory_space<vmem>>, vector<16xf32>,
      %get3A_108 = vector.shape_cast %get3A_107 : vector<16xf32> to vector<16xf32>
      %add3A_109 = arith.addf %add3A_101, %get3A_108 : vector<16xf32>
      %swap3A_110 = arith.constant 0 : index
      %swap3A_111 = tpu.vector_load %arg7[%swap3A_110] {strides = array<i32>} : memref<32xf32, #tpu.memory_space<vmem>>, vector<16xf32>,
      %swap3A_112 = vector.shape_cast %swap3A_111 : vector<16xf32> to vector<16xf32>
      %swap3A_113 = vector.shape_cast %add3A_109 : vector<16xf32> to vector<16xf32>
      tpu.vector_store %arg7[%swap3A_110], %swap3A_113 {strides = array<i32>} : memref<32xf32, #tpu.memory_space<vmem>>, vector<16xf32>,
      %get3A_114 = arith.constant 2 : index
      %get3A_115 = tpu.vector_load %arg7[%get3A_114] {strides = array<i32>} : memref<32xf32, #tpu.memory_space<vmem>>, vector<16xf32>,
      %get3A_116 = vector.shape_cast %get3A_115 : vector<16xf32> to vector<16xf32>
      %add3A_117 = arith.addf %add3A_109, %get3A_116 : vector<16xf32>
      %swap3A_118 = arith.constant 0 : index
      %swap3A_119 = tpu.vector_load %arg7[%swap3A_118] {strides = array<i32>} : memref<32xf32, #tpu.memory_space<vmem>>, vector<16xf32>,
      %swap3A_120 = vector.shape_cast %swap3A_119 : vector<16xf32> to vector<16xf32>
      %swap3A_121 = vector.shape_cast %add3A_117 : vector<16xf32> to vector<16xf32>
      tpu.vector_store %arg7[%swap3A_118], %swap3A_121 {strides = array<i32>} : memref<32xf32, #tpu.memory_space<vmem>>, vector<16xf32>,
      %get3A_122 = arith.constant 1 : index
      %get3A_123 = tpu.vector_load %arg7[%get3A_122] {strides = array<i32>} : memref<32xf32, #tpu.memory_space<vmem>>, vector<16xf32>,
      %get3A_124 = vector.shape_cast %get3A_123 : vector<16xf32> to vector<16xf32>
      %add3A_125 = arith.addf %add3A_117, %get3A_124 : vector<16xf32>
      %get3A_126 = arith.index_cast %scan3A_82 : i32 to index
      %get3A_127 = tpu.vector_load %arg6[%get3A_126] {strides = array<i32>} : memref<32xf32, #tpu.memory_space<vmem>>, vector<16xf32>,
      %get3A_128 = vector.shape_cast %get3A_127 : vector<16xf32> to vector<16xf32>
      %add3A_129 = arith.constant 6.000000e-01 : f32
      %add3A_130 = vector.broadcast %add3A_129 : f32 to vector<16xf32>
      %add3A_131 = arith.addf %add3A_125, %add3A_130 : vector<16xf32>
      %max3A = arith.constant 0.000000e+00 : f32
      %max3A_132 = vector.broadcast %max3A : f32 to vector<16xf32>
      %max3A_133 = arith.maximumf %add3A_131, %max3A_132 : vector<16xf32>
      %mul3A_134 = arith.mulf %max3A_133, %convert_element_type3A : vector<16xf32>
      %mul3A_135 = arith.mulf %mul3A_134, %get3A_128 : vector<16xf32>
      %add3A_136 = arith.addf %scan3A_83, %mul3A_135 : vector<16xf32>
      scf.yield %add3A_136 : vector<16xf32>
    }
    %scan3A_55 = arith.constant 8 : i32
    %dma_wait3A_56 = tpu.memref_slice %arg4[%mul3A_47] : memref<16777216xf32, #tpu.memory_space<hbm>> -> memref<16384xf32, #tpu.memory_space<hbm>>
    %dma_wait3A_57 = tpu.memref_slice %arg4[%mul3A_47] : memref<16777216xf32, #tpu.memory_space<hbm>> -> memref<16384xf32, #tpu.memory_space<hbm>>
    tpu.wait_dma2 semaphore(%arg13 : memref<!tpu.dma_semaphore, #tpu.memory_space<semaphore_mem>>) src(%dma_wait3A_57 : memref<16384xf32, #tpu.memory_space<hbm>>) dst(%arg9 : memref<16384xf32, #tpu.memory_space<vmem>>)
    %add3A_58 = arith.constant 6144 : i32
    %add3A_59 = arith.addi %add3A_58, %mul3A_2 : i32
    %mul3A_60 = arith.constant 2048 : i32
    %mul3A_61 = arith.muli %add3A_59, %mul3A_60 : i32
    %dma_start3A_62 = tpu.memref_slice %arg4[%mul3A_61] : memref<16777216xf32, #tpu.memory_space<hbm>> -> memref<16384xf32, #tpu.memory_space<hbm>>
    %dma_start3A_63 = tpu.memref_slice %arg4[%mul3A_61] : memref<16777216xf32, #tpu.memory_space<hbm>> -> memref<16384xf32, #tpu.memory_space<hbm>>
    tpu.enqueue_dma source(%dma_start3A_63 : memref<16384xf32, #tpu.memory_space<hbm>>) target(%arg10 : memref<16384xf32, #tpu.memory_space<vmem>>) target_semaphore(%arg14 : memref<!tpu.dma_semaphore, #tpu.memory_space<semaphore_mem>>)
    %scan3A_64 = arith.constant 0 : i32
    %scan3A_65 = arith.constant 8 : i32
    %scan3A_66 = arith.addi %scan3A_64, %scan3A_65 : i32
    %scan3A_67 = arith.constant 1 : i32
    %scan3A_68 = scf.for %scan3A_82 = %scan3A_64 to %scan3A_66 step %scan3A_67 iter_args(%scan3A_83 = %scan3A_54) -> (vector<16xf32>)  : i32 {
      %broadcast_in_dim3A_84 = arith.constant 0.000000e+00 : f32
      %broadcast_in_dim3A_85 = vector.broadcast %broadcast_in_dim3A_84 : f32 to vector<16xf32>
      %scan3A_86 = arith.constant 0 : i32
      %scan3A_87 = arith.constant 16 : i32
      %scan3A_88 = arith.addi %scan3A_86, %scan3A_87 : i32
      %scan3A_89 = arith.constant 1 : i32
      %scan3A_90:4 = scf.for %scan3A_137 = %scan3A_86 to %scan3A_88 step %scan3A_89 iter_args(%scan3A_138 = %broadcast_in_dim3A_85, %scan3A_139 = %broadcast_in_dim3A_85, %scan3A_140 = %broadcast_in_dim3A_85, %scan3A_141 = %broadcast_in_dim3A_85) -> (vector<16xf32>, vector<16xf32>, vector<16xf32>, vector<16xf32>)  : i32 {
        %mul3A_142 = arith.constant 8 : i32
        %mul3A_143 = arith.muli %scan3A_137, %mul3A_142 : i32
        %add3A_144 = arith.constant 0 : i32
        %add3A_145 = arith.addi %mul3A_143, %add3A_144 : i32
        %mul3A_146 = arith.constant 16 : i32
        %mul3A_147 = arith.muli %add3A_145, %mul3A_146 : i32
        %mul3A_148 = arith.constant 2048 : i32
        %mul3A_149 = arith.muli %scan3A_82, %mul3A_148 : i32
        %add3A_150 = arith.addi %mul3A_149, %mul3A_147 : i32
        %get3A_151 = arith.index_cast %add3A_150 : i32 to index
        %get3A_152 = tpu.vector_load %arg9[%get3A_151] {strides = array<i32>} : memref<16384xf32, #tpu.memory_space<vmem>>, vector<16xf32>,
        %get3A_153 = vector.shape_cast %get3A_152 : vector<16xf32> to vector<16xf32>
        %mul3A_154 = arith.constant 2048 : i32
        %mul3A_155 = arith.muli %scan3A_82, %mul3A_154 : i32
        %add3A_156 = arith.addi %mul3A_155, %mul3A_147 : i32
        %get3A_157 = arith.index_cast %add3A_156 : i32 to index
        %get3A_158 = tpu.vector_load %arg8[%get3A_157] {strides = array<i32>} : memref<16384xf32, #tpu.memory_space<vmem>>, vector<16xf32>,
        %get3A_159 = vector.shape_cast %get3A_158 : vector<16xf32> to vector<16xf32>
        %mul3A_160 = arith.mulf %get3A_153, %get3A_159 : vector<16xf32>
        %add3A_161 = arith.addf %scan3A_138, %mul3A_160 : vector<16xf32>
        %mul3A_162 = arith.constant 8 : i32
        %mul3A_163 = arith.muli %scan3A_137, %mul3A_162 : i32
        %add3A_164 = arith.constant 1 : i32
        %add3A_165 = arith.addi %mul3A_163, %add3A_164 : i32
        %mul3A_166 = arith.constant 16 : i32
        %mul3A_167 = arith.muli %add3A_165, %mul3A_166 : i32
        %mul3A_168 = arith.constant 2048 : i32
        %mul3A_169 = arith.muli %scan3A_82, %mul3A_168 : i32
        %add3A_170 = arith.addi %mul3A_169, %mul3A_167 : i32
        %get3A_171 = arith.index_cast %add3A_170 : i32 to index
        %get3A_172 = tpu.vector_load %arg9[%get3A_171] {strides = array<i32>} : memref<16384xf32, #tpu.memory_space<vmem>>, vector<16xf32>,
        %get3A_173 = vector.shape_cast %get3A_172 : vector<16xf32> to vector<16xf32>
        %mul3A_174 = arith.constant 2048 : i32
        %mul3A_175 = arith.muli %scan3A_82, %mul3A_174 : i32
        %add3A_176 = arith.addi %mul3A_175, %mul3A_167 : i32
        %get3A_177 = arith.index_cast %add3A_176 : i32 to index
        %get3A_178 = tpu.vector_load %arg8[%get3A_177] {strides = array<i32>} : memref<16384xf32, #tpu.memory_space<vmem>>, vector<16xf32>,
        %get3A_179 = vector.shape_cast %get3A_178 : vector<16xf32> to vector<16xf32>
        %mul3A_180 = arith.mulf %get3A_173, %get3A_179 : vector<16xf32>
        %add3A_181 = arith.addf %scan3A_139, %mul3A_180 : vector<16xf32>
        %mul3A_182 = arith.constant 8 : i32
        %mul3A_183 = arith.muli %scan3A_137, %mul3A_182 : i32
        %add3A_184 = arith.constant 2 : i32
        %add3A_185 = arith.addi %mul3A_183, %add3A_184 : i32
        %mul3A_186 = arith.constant 16 : i32
        %mul3A_187 = arith.muli %add3A_185, %mul3A_186 : i32
        %mul3A_188 = arith.constant 2048 : i32
        %mul3A_189 = arith.muli %scan3A_82, %mul3A_188 : i32
        %add3A_190 = arith.addi %mul3A_189, %mul3A_187 : i32
        %get3A_191 = arith.index_cast %add3A_190 : i32 to index
        %get3A_192 = tpu.vector_load %arg9[%get3A_191] {strides = array<i32>} : memref<16384xf32, #tpu.memory_space<vmem>>, vector<16xf32>,
        %get3A_193 = vector.shape_cast %get3A_192 : vector<16xf32> to vector<16xf32>
        %mul3A_194 = arith.constant 2048 : i32
        %mul3A_195 = arith.muli %scan3A_82, %mul3A_194 : i32
        %add3A_196 = arith.addi %mul3A_195, %mul3A_187 : i32
        %get3A_197 = arith.index_cast %add3A_196 : i32 to index
        %get3A_198 = tpu.vector_load %arg8[%get3A_197] {strides = array<i32>} : memref<16384xf32, #tpu.memory_space<vmem>>, vector<16xf32>,
        %get3A_199 = vector.shape_cast %get3A_198 : vector<16xf32> to vector<16xf32>
        %mul3A_200 = arith.mulf %get3A_193, %get3A_199 : vector<16xf32>
        %add3A_201 = arith.addf %scan3A_140, %mul3A_200 : vector<16xf32>
        %mul3A_202 = arith.constant 8 : i32
        %mul3A_203 = arith.muli %scan3A_137, %mul3A_202 : i32
        %add3A_204 = arith.constant 3 : i32
        %add3A_205 = arith.addi %mul3A_203, %add3A_204 : i32
        %mul3A_206 = arith.constant 16 : i32
        %mul3A_207 = arith.muli %add3A_205, %mul3A_206 : i32
        %mul3A_208 = arith.constant 2048 : i32
        %mul3A_209 = arith.muli %scan3A_82, %mul3A_208 : i32
        %add3A_210 = arith.addi %mul3A_209, %mul3A_207 : i32
        %get3A_211 = arith.index_cast %add3A_210 : i32 to index
        %get3A_212 = tpu.vector_load %arg9[%get3A_211] {strides = array<i32>} : memref<16384xf32, #tpu.memory_space<vmem>>, vector<16xf32>,
        %get3A_213 = vector.shape_cast %get3A_212 : vector<16xf32> to vector<16xf32>
        %mul3A_214 = arith.constant 2048 : i32
        %mul3A_215 = arith.muli %scan3A_82, %mul3A_214 : i32
        %add3A_216 = arith.addi %mul3A_215, %mul3A_207 : i32
        %get3A_217 = arith.index_cast %add3A_216 : i32 to index
        %get3A_218 = tpu.vector_load %arg8[%get3A_217] {strides = array<i32>} : memref<16384xf32, #tpu.memory_space<vmem>>, vector<16xf32>,
        %get3A_219 = vector.shape_cast %get3A_218 : vector<16xf32> to vector<16xf32>
        %mul3A_220 = arith.mulf %get3A_213, %get3A_219 : vector<16xf32>
        %add3A_221 = arith.addf %scan3A_141, %mul3A_220 : vector<16xf32>
        %mul3A_222 = arith.constant 8 : i32
        %mul3A_223 = arith.muli %scan3A_137, %mul3A_222 : i32
        %add3A_224 = arith.constant 4 : i32
        %add3A_225 = arith.addi %mul3A_223, %add3A_224 : i32
        %mul3A_226 = arith.constant 16 : i32
        %mul3A_227 = arith.muli %add3A_225, %mul3A_226 : i32
        %mul3A_228 = arith.constant 2048 : i32
        %mul3A_229 = arith.muli %scan3A_82, %mul3A_228 : i32
        %add3A_230 = arith.addi %mul3A_229, %mul3A_227 : i32
        %get3A_231 = arith.index_cast %add3A_230 : i32 to index
        %get3A_232 = tpu.vector_load %arg9[%get3A_231] {strides = array<i32>} : memref<16384xf32, #tpu.memory_space<vmem>>, vector<16xf32>,
        %get3A_233 = vector.shape_cast %get3A_232 : vector<16xf32> to vector<16xf32>
        %mul3A_234 = arith.constant 2048 : i32
        %mul3A_235 = arith.muli %scan3A_82, %mul3A_234 : i32
        %add3A_236 = arith.addi %mul3A_235, %mul3A_227 : i32
        %get3A_237 = arith.index_cast %add3A_236 : i32 to index
        %get3A_238 = tpu.vector_load %arg8[%get3A_237] {strides = array<i32>} : memref<16384xf32, #tpu.memory_space<vmem>>, vector<16xf32>,
        %get3A_239 = vector.shape_cast %get3A_238 : vector<16xf32> to vector<16xf32>
        %mul3A_240 = arith.mulf %get3A_233, %get3A_239 : vector<16xf32>
        %add3A_241 = arith.addf %add3A_161, %mul3A_240 : vector<16xf32>
        %mul3A_242 = arith.constant 8 : i32
        %mul3A_243 = arith.muli %scan3A_137, %mul3A_242 : i32
        %add3A_244 = arith.constant 5 : i32
        %add3A_245 = arith.addi %mul3A_243, %add3A_244 : i32
        %mul3A_246 = arith.constant 16 : i32
        %mul3A_247 = arith.muli %add3A_245, %mul3A_246 : i32
        %mul3A_248 = arith.constant 2048 : i32
        %mul3A_249 = arith.muli %scan3A_82, %mul3A_248 : i32
        %add3A_250 = arith.addi %mul3A_249, %mul3A_247 : i32
        %get3A_251 = arith.index_cast %add3A_250 : i32 to index
        %get3A_252 = tpu.vector_load %arg9[%get3A_251] {strides = array<i32>} : memref<16384xf32, #tpu.memory_space<vmem>>, vector<16xf32>,
        %get3A_253 = vector.shape_cast %get3A_252 : vector<16xf32> to vector<16xf32>
        %mul3A_254 = arith.constant 2048 : i32
        %mul3A_255 = arith.muli %scan3A_82, %mul3A_254 : i32
        %add3A_256 = arith.addi %mul3A_255, %mul3A_247 : i32
        %get3A_257 = arith.index_cast %add3A_256 : i32 to index
        %get3A_258 = tpu.vector_load %arg8[%get3A_257] {strides = array<i32>} : memref<16384xf32, #tpu.memory_space<vmem>>, vector<16xf32>,
        %get3A_259 = vector.shape_cast %get3A_258 : vector<16xf32> to vector<16xf32>
        %mul3A_260 = arith.mulf %get3A_253, %get3A_259 : vector<16xf32>
        %add3A_261 = arith.addf %add3A_181, %mul3A_260 : vector<16xf32>
        %mul3A_262 = arith.constant 8 : i32
        %mul3A_263 = arith.muli %scan3A_137, %mul3A_262 : i32
        %add3A_264 = arith.constant 6 : i32
        %add3A_265 = arith.addi %mul3A_263, %add3A_264 : i32
        %mul3A_266 = arith.constant 16 : i32
        %mul3A_267 = arith.muli %add3A_265, %mul3A_266 : i32
        %mul3A_268 = arith.constant 2048 : i32
        %mul3A_269 = arith.muli %scan3A_82, %mul3A_268 : i32
        %add3A_270 = arith.addi %mul3A_269, %mul3A_267 : i32
        %get3A_271 = arith.index_cast %add3A_270 : i32 to index
        %get3A_272 = tpu.vector_load %arg9[%get3A_271] {strides = array<i32>} : memref<16384xf32, #tpu.memory_space<vmem>>, vector<16xf32>,
        %get3A_273 = vector.shape_cast %get3A_272 : vector<16xf32> to vector<16xf32>
        %mul3A_274 = arith.constant 2048 : i32
        %mul3A_275 = arith.muli %scan3A_82, %mul3A_274 : i32
        %add3A_276 = arith.addi %mul3A_275, %mul3A_267 : i32
        %get3A_277 = arith.index_cast %add3A_276 : i32 to index
        %get3A_278 = tpu.vector_load %arg8[%get3A_277] {strides = array<i32>} : memref<16384xf32, #tpu.memory_space<vmem>>, vector<16xf32>,
        %get3A_279 = vector.shape_cast %get3A_278 : vector<16xf32> to vector<16xf32>
        %mul3A_280 = arith.mulf %get3A_273, %get3A_279 : vector<16xf32>
        %add3A_281 = arith.addf %add3A_201, %mul3A_280 : vector<16xf32>
        %mul3A_282 = arith.constant 8 : i32
        %mul3A_283 = arith.muli %scan3A_137, %mul3A_282 : i32
        %add3A_284 = arith.constant 7 : i32
        %add3A_285 = arith.addi %mul3A_283, %add3A_284 : i32
        %mul3A_286 = arith.constant 16 : i32
        %mul3A_287 = arith.muli %add3A_285, %mul3A_286 : i32
        %mul3A_288 = arith.constant 2048 : i32
        %mul3A_289 = arith.muli %scan3A_82, %mul3A_288 : i32
        %add3A_290 = arith.addi %mul3A_289, %mul3A_287 : i32
        %get3A_291 = arith.index_cast %add3A_290 : i32 to index
        %get3A_292 = tpu.vector_load %arg9[%get3A_291] {strides = array<i32>} : memref<16384xf32, #tpu.memory_space<vmem>>, vector<16xf32>,
        %get3A_293 = vector.shape_cast %get3A_292 : vector<16xf32> to vector<16xf32>
        %mul3A_294 = arith.constant 2048 : i32
        %mul3A_295 = arith.muli %scan3A_82, %mul3A_294 : i32
        %add3A_296 = arith.addi %mul3A_295, %mul3A_287 : i32
        %get3A_297 = arith.index_cast %add3A_296 : i32 to index
        %get3A_298 = tpu.vector_load %arg8[%get3A_297] {strides = array<i32>} : memref<16384xf32, #tpu.memory_space<vmem>>, vector<16xf32>,
        %get3A_299 = vector.shape_cast %get3A_298 : vector<16xf32> to vector<16xf32>
        %mul3A_300 = arith.mulf %get3A_293, %get3A_299 : vector<16xf32>
        %add3A_301 = arith.addf %add3A_221, %mul3A_300 : vector<16xf32>
        scf.yield %add3A_241, %add3A_261, %add3A_281, %add3A_301 : vector<16xf32>, vector<16xf32>, vector<16xf32>, vector<16xf32>
      }
      %scan3A_91 = arith.constant 16 : i32
      %add3A_92 = arith.addf %scan3A_90#0, %scan3A_90#1 : vector<16xf32>
      %add3A_93 = arith.addf %scan3A_90#2, %scan3A_90#3 : vector<16xf32>
      %add3A_94 = arith.addf %add3A_92, %add3A_93 : vector<16xf32>
      %swap3A_95 = arith.constant 0 : index
      %swap3A_96 = tpu.vector_load %arg7[%swap3A_95] {strides = array<i32>} : memref<32xf32, #tpu.memory_space<vmem>>, vector<16xf32>,
      %swap3A_97 = vector.shape_cast %swap3A_96 : vector<16xf32> to vector<16xf32>
      %swap3A_98 = vector.shape_cast %add3A_94 : vector<16xf32> to vector<16xf32>
      tpu.vector_store %arg7[%swap3A_95], %swap3A_98 {strides = array<i32>} : memref<32xf32, #tpu.memory_space<vmem>>, vector<16xf32>,
      %get3A = arith.constant 8 : index
      %get3A_99 = tpu.vector_load %arg7[%get3A] {strides = array<i32>} : memref<32xf32, #tpu.memory_space<vmem>>, vector<16xf32>,
      %get3A_100 = vector.shape_cast %get3A_99 : vector<16xf32> to vector<16xf32>
      %add3A_101 = arith.addf %add3A_94, %get3A_100 : vector<16xf32>
      %swap3A_102 = arith.constant 0 : index
      %swap3A_103 = tpu.vector_load %arg7[%swap3A_102] {strides = array<i32>} : memref<32xf32, #tpu.memory_space<vmem>>, vector<16xf32>,
      %swap3A_104 = vector.shape_cast %swap3A_103 : vector<16xf32> to vector<16xf32>
      %swap3A_105 = vector.shape_cast %add3A_101 : vector<16xf32> to vector<16xf32>
      tpu.vector_store %arg7[%swap3A_102], %swap3A_105 {strides = array<i32>} : memref<32xf32, #tpu.memory_space<vmem>>, vector<16xf32>,
      %get3A_106 = arith.constant 4 : index
      %get3A_107 = tpu.vector_load %arg7[%get3A_106] {strides = array<i32>} : memref<32xf32, #tpu.memory_space<vmem>>, vector<16xf32>,
      %get3A_108 = vector.shape_cast %get3A_107 : vector<16xf32> to vector<16xf32>
      %add3A_109 = arith.addf %add3A_101, %get3A_108 : vector<16xf32>
      %swap3A_110 = arith.constant 0 : index
      %swap3A_111 = tpu.vector_load %arg7[%swap3A_110] {strides = array<i32>} : memref<32xf32, #tpu.memory_space<vmem>>, vector<16xf32>,
      %swap3A_112 = vector.shape_cast %swap3A_111 : vector<16xf32> to vector<16xf32>
      %swap3A_113 = vector.shape_cast %add3A_109 : vector<16xf32> to vector<16xf32>
      tpu.vector_store %arg7[%swap3A_110], %swap3A_113 {strides = array<i32>} : memref<32xf32, #tpu.memory_space<vmem>>, vector<16xf32>,
      %get3A_114 = arith.constant 2 : index
      %get3A_115 = tpu.vector_load %arg7[%get3A_114] {strides = array<i32>} : memref<32xf32, #tpu.memory_space<vmem>>, vector<16xf32>,
      %get3A_116 = vector.shape_cast %get3A_115 : vector<16xf32> to vector<16xf32>
      %add3A_117 = arith.addf %add3A_109, %get3A_116 : vector<16xf32>
      %swap3A_118 = arith.constant 0 : index
      %swap3A_119 = tpu.vector_load %arg7[%swap3A_118] {strides = array<i32>} : memref<32xf32, #tpu.memory_space<vmem>>, vector<16xf32>,
      %swap3A_120 = vector.shape_cast %swap3A_119 : vector<16xf32> to vector<16xf32>
      %swap3A_121 = vector.shape_cast %add3A_117 : vector<16xf32> to vector<16xf32>
      tpu.vector_store %arg7[%swap3A_118], %swap3A_121 {strides = array<i32>} : memref<32xf32, #tpu.memory_space<vmem>>, vector<16xf32>,
      %get3A_122 = arith.constant 1 : index
      %get3A_123 = tpu.vector_load %arg7[%get3A_122] {strides = array<i32>} : memref<32xf32, #tpu.memory_space<vmem>>, vector<16xf32>,
      %get3A_124 = vector.shape_cast %get3A_123 : vector<16xf32> to vector<16xf32>
      %add3A_125 = arith.addf %add3A_117, %get3A_124 : vector<16xf32>
      %get3A_126 = arith.index_cast %scan3A_82 : i32 to index
      %get3A_127 = tpu.vector_load %arg6[%get3A_126] {strides = array<i32>} : memref<32xf32, #tpu.memory_space<vmem>>, vector<16xf32>,
      %get3A_128 = vector.shape_cast %get3A_127 : vector<16xf32> to vector<16xf32>
      %add3A_129 = arith.constant 6.000000e-01 : f32
      %add3A_130 = vector.broadcast %add3A_129 : f32 to vector<16xf32>
      %add3A_131 = arith.addf %add3A_125, %add3A_130 : vector<16xf32>
      %max3A = arith.constant 0.000000e+00 : f32
      %max3A_132 = vector.broadcast %max3A : f32 to vector<16xf32>
      %max3A_133 = arith.maximumf %add3A_131, %max3A_132 : vector<16xf32>
      %mul3A_134 = arith.mulf %max3A_133, %convert_element_type3A : vector<16xf32>
      %mul3A_135 = arith.mulf %mul3A_134, %get3A_128 : vector<16xf32>
      %add3A_136 = arith.addf %scan3A_83, %mul3A_135 : vector<16xf32>
      scf.yield %add3A_136 : vector<16xf32>
    }
    %scan3A_69 = arith.constant 8 : i32
    %dma_wait3A_70 = tpu.memref_slice %arg4[%mul3A_61] : memref<16777216xf32, #tpu.memory_space<hbm>> -> memref<16384xf32, #tpu.memory_space<hbm>>
    %dma_wait3A_71 = tpu.memref_slice %arg4[%mul3A_61] : memref<16777216xf32, #tpu.memory_space<hbm>> -> memref<16384xf32, #tpu.memory_space<hbm>>
    tpu.wait_dma2 semaphore(%arg14 : memref<!tpu.dma_semaphore, #tpu.memory_space<semaphore_mem>>) src(%dma_wait3A_71 : memref<16384xf32, #tpu.memory_space<hbm>>) dst(%arg10 : memref<16384xf32, #tpu.memory_space<vmem>>)
    %scan3A_72 = arith.constant 0 : i32
    %scan3A_73 = arith.constant 8 : i32
    %scan3A_74 = arith.addi %scan3A_72, %scan3A_73 : i32
    %scan3A_75 = arith.constant 1 : i32
    %scan3A_76 = scf.for %scan3A_82 = %scan3A_72 to %scan3A_74 step %scan3A_75 iter_args(%scan3A_83 = %scan3A_68) -> (vector<16xf32>)  : i32 {
      %broadcast_in_dim3A_84 = arith.constant 0.000000e+00 : f32
      %broadcast_in_dim3A_85 = vector.broadcast %broadcast_in_dim3A_84 : f32 to vector<16xf32>
      %scan3A_86 = arith.constant 0 : i32
      %scan3A_87 = arith.constant 16 : i32
      %scan3A_88 = arith.addi %scan3A_86, %scan3A_87 : i32
      %scan3A_89 = arith.constant 1 : i32
      %scan3A_90:4 = scf.for %scan3A_137 = %scan3A_86 to %scan3A_88 step %scan3A_89 iter_args(%scan3A_138 = %broadcast_in_dim3A_85, %scan3A_139 = %broadcast_in_dim3A_85, %scan3A_140 = %broadcast_in_dim3A_85, %scan3A_141 = %broadcast_in_dim3A_85) -> (vector<16xf32>, vector<16xf32>, vector<16xf32>, vector<16xf32>)  : i32 {
        %mul3A_142 = arith.constant 8 : i32
        %mul3A_143 = arith.muli %scan3A_137, %mul3A_142 : i32
        %add3A_144 = arith.constant 0 : i32
        %add3A_145 = arith.addi %mul3A_143, %add3A_144 : i32
        %mul3A_146 = arith.constant 16 : i32
        %mul3A_147 = arith.muli %add3A_145, %mul3A_146 : i32
        %mul3A_148 = arith.constant 2048 : i32
        %mul3A_149 = arith.muli %scan3A_82, %mul3A_148 : i32
        %add3A_150 = arith.addi %mul3A_149, %mul3A_147 : i32
        %get3A_151 = arith.index_cast %add3A_150 : i32 to index
        %get3A_152 = tpu.vector_load %arg10[%get3A_151] {strides = array<i32>} : memref<16384xf32, #tpu.memory_space<vmem>>, vector<16xf32>,
        %get3A_153 = vector.shape_cast %get3A_152 : vector<16xf32> to vector<16xf32>
        %mul3A_154 = arith.constant 2048 : i32
        %mul3A_155 = arith.muli %scan3A_82, %mul3A_154 : i32
        %add3A_156 = arith.addi %mul3A_155, %mul3A_147 : i32
        %get3A_157 = arith.index_cast %add3A_156 : i32 to index
        %get3A_158 = tpu.vector_load %arg8[%get3A_157] {strides = array<i32>} : memref<16384xf32, #tpu.memory_space<vmem>>, vector<16xf32>,
        %get3A_159 = vector.shape_cast %get3A_158 : vector<16xf32> to vector<16xf32>
        %mul3A_160 = arith.mulf %get3A_153, %get3A_159 : vector<16xf32>
        %add3A_161 = arith.addf %scan3A_138, %mul3A_160 : vector<16xf32>
        %mul3A_162 = arith.constant 8 : i32
        %mul3A_163 = arith.muli %scan3A_137, %mul3A_162 : i32
        %add3A_164 = arith.constant 1 : i32
        %add3A_165 = arith.addi %mul3A_163, %add3A_164 : i32
        %mul3A_166 = arith.constant 16 : i32
        %mul3A_167 = arith.muli %add3A_165, %mul3A_166 : i32
        %mul3A_168 = arith.constant 2048 : i32
        %mul3A_169 = arith.muli %scan3A_82, %mul3A_168 : i32
        %add3A_170 = arith.addi %mul3A_169, %mul3A_167 : i32
        %get3A_171 = arith.index_cast %add3A_170 : i32 to index
        %get3A_172 = tpu.vector_load %arg10[%get3A_171] {strides = array<i32>} : memref<16384xf32, #tpu.memory_space<vmem>>, vector<16xf32>,
        %get3A_173 = vector.shape_cast %get3A_172 : vector<16xf32> to vector<16xf32>
        %mul3A_174 = arith.constant 2048 : i32
        %mul3A_175 = arith.muli %scan3A_82, %mul3A_174 : i32
        %add3A_176 = arith.addi %mul3A_175, %mul3A_167 : i32
        %get3A_177 = arith.index_cast %add3A_176 : i32 to index
        %get3A_178 = tpu.vector_load %arg8[%get3A_177] {strides = array<i32>} : memref<16384xf32, #tpu.memory_space<vmem>>, vector<16xf32>,
        %get3A_179 = vector.shape_cast %get3A_178 : vector<16xf32> to vector<16xf32>
        %mul3A_180 = arith.mulf %get3A_173, %get3A_179 : vector<16xf32>
        %add3A_181 = arith.addf %scan3A_139, %mul3A_180 : vector<16xf32>
        %mul3A_182 = arith.constant 8 : i32
        %mul3A_183 = arith.muli %scan3A_137, %mul3A_182 : i32
        %add3A_184 = arith.constant 2 : i32
        %add3A_185 = arith.addi %mul3A_183, %add3A_184 : i32
        %mul3A_186 = arith.constant 16 : i32
        %mul3A_187 = arith.muli %add3A_185, %mul3A_186 : i32
        %mul3A_188 = arith.constant 2048 : i32
        %mul3A_189 = arith.muli %scan3A_82, %mul3A_188 : i32
        %add3A_190 = arith.addi %mul3A_189, %mul3A_187 : i32
        %get3A_191 = arith.index_cast %add3A_190 : i32 to index
        %get3A_192 = tpu.vector_load %arg10[%get3A_191] {strides = array<i32>} : memref<16384xf32, #tpu.memory_space<vmem>>, vector<16xf32>,
        %get3A_193 = vector.shape_cast %get3A_192 : vector<16xf32> to vector<16xf32>
        %mul3A_194 = arith.constant 2048 : i32
        %mul3A_195 = arith.muli %scan3A_82, %mul3A_194 : i32
        %add3A_196 = arith.addi %mul3A_195, %mul3A_187 : i32
        %get3A_197 = arith.index_cast %add3A_196 : i32 to index
        %get3A_198 = tpu.vector_load %arg8[%get3A_197] {strides = array<i32>} : memref<16384xf32, #tpu.memory_space<vmem>>, vector<16xf32>,
        %get3A_199 = vector.shape_cast %get3A_198 : vector<16xf32> to vector<16xf32>
        %mul3A_200 = arith.mulf %get3A_193, %get3A_199 : vector<16xf32>
        %add3A_201 = arith.addf %scan3A_140, %mul3A_200 : vector<16xf32>
        %mul3A_202 = arith.constant 8 : i32
        %mul3A_203 = arith.muli %scan3A_137, %mul3A_202 : i32
        %add3A_204 = arith.constant 3 : i32
        %add3A_205 = arith.addi %mul3A_203, %add3A_204 : i32
        %mul3A_206 = arith.constant 16 : i32
        %mul3A_207 = arith.muli %add3A_205, %mul3A_206 : i32
        %mul3A_208 = arith.constant 2048 : i32
        %mul3A_209 = arith.muli %scan3A_82, %mul3A_208 : i32
        %add3A_210 = arith.addi %mul3A_209, %mul3A_207 : i32
        %get3A_211 = arith.index_cast %add3A_210 : i32 to index
        %get3A_212 = tpu.vector_load %arg10[%get3A_211] {strides = array<i32>} : memref<16384xf32, #tpu.memory_space<vmem>>, vector<16xf32>,
        %get3A_213 = vector.shape_cast %get3A_212 : vector<16xf32> to vector<16xf32>
        %mul3A_214 = arith.constant 2048 : i32
        %mul3A_215 = arith.muli %scan3A_82, %mul3A_214 : i32
        %add3A_216 = arith.addi %mul3A_215, %mul3A_207 : i32
        %get3A_217 = arith.index_cast %add3A_216 : i32 to index
        %get3A_218 = tpu.vector_load %arg8[%get3A_217] {strides = array<i32>} : memref<16384xf32, #tpu.memory_space<vmem>>, vector<16xf32>,
        %get3A_219 = vector.shape_cast %get3A_218 : vector<16xf32> to vector<16xf32>
        %mul3A_220 = arith.mulf %get3A_213, %get3A_219 : vector<16xf32>
        %add3A_221 = arith.addf %scan3A_141, %mul3A_220 : vector<16xf32>
        %mul3A_222 = arith.constant 8 : i32
        %mul3A_223 = arith.muli %scan3A_137, %mul3A_222 : i32
        %add3A_224 = arith.constant 4 : i32
        %add3A_225 = arith.addi %mul3A_223, %add3A_224 : i32
        %mul3A_226 = arith.constant 16 : i32
        %mul3A_227 = arith.muli %add3A_225, %mul3A_226 : i32
        %mul3A_228 = arith.constant 2048 : i32
        %mul3A_229 = arith.muli %scan3A_82, %mul3A_228 : i32
        %add3A_230 = arith.addi %mul3A_229, %mul3A_227 : i32
        %get3A_231 = arith.index_cast %add3A_230 : i32 to index
        %get3A_232 = tpu.vector_load %arg10[%get3A_231] {strides = array<i32>} : memref<16384xf32, #tpu.memory_space<vmem>>, vector<16xf32>,
        %get3A_233 = vector.shape_cast %get3A_232 : vector<16xf32> to vector<16xf32>
        %mul3A_234 = arith.constant 2048 : i32
        %mul3A_235 = arith.muli %scan3A_82, %mul3A_234 : i32
        %add3A_236 = arith.addi %mul3A_235, %mul3A_227 : i32
        %get3A_237 = arith.index_cast %add3A_236 : i32 to index
        %get3A_238 = tpu.vector_load %arg8[%get3A_237] {strides = array<i32>} : memref<16384xf32, #tpu.memory_space<vmem>>, vector<16xf32>,
        %get3A_239 = vector.shape_cast %get3A_238 : vector<16xf32> to vector<16xf32>
        %mul3A_240 = arith.mulf %get3A_233, %get3A_239 : vector<16xf32>
        %add3A_241 = arith.addf %add3A_161, %mul3A_240 : vector<16xf32>
        %mul3A_242 = arith.constant 8 : i32
        %mul3A_243 = arith.muli %scan3A_137, %mul3A_242 : i32
        %add3A_244 = arith.constant 5 : i32
        %add3A_245 = arith.addi %mul3A_243, %add3A_244 : i32
        %mul3A_246 = arith.constant 16 : i32
        %mul3A_247 = arith.muli %add3A_245, %mul3A_246 : i32
        %mul3A_248 = arith.constant 2048 : i32
        %mul3A_249 = arith.muli %scan3A_82, %mul3A_248 : i32
        %add3A_250 = arith.addi %mul3A_249, %mul3A_247 : i32
        %get3A_251 = arith.index_cast %add3A_250 : i32 to index
        %get3A_252 = tpu.vector_load %arg10[%get3A_251] {strides = array<i32>} : memref<16384xf32, #tpu.memory_space<vmem>>, vector<16xf32>,
        %get3A_253 = vector.shape_cast %get3A_252 : vector<16xf32> to vector<16xf32>
        %mul3A_254 = arith.constant 2048 : i32
        %mul3A_255 = arith.muli %scan3A_82, %mul3A_254 : i32
        %add3A_256 = arith.addi %mul3A_255, %mul3A_247 : i32
        %get3A_257 = arith.index_cast %add3A_256 : i32 to index
        %get3A_258 = tpu.vector_load %arg8[%get3A_257] {strides = array<i32>} : memref<16384xf32, #tpu.memory_space<vmem>>, vector<16xf32>,
        %get3A_259 = vector.shape_cast %get3A_258 : vector<16xf32> to vector<16xf32>
        %mul3A_260 = arith.mulf %get3A_253, %get3A_259 : vector<16xf32>
        %add3A_261 = arith.addf %add3A_181, %mul3A_260 : vector<16xf32>
        %mul3A_262 = arith.constant 8 : i32
        %mul3A_263 = arith.muli %scan3A_137, %mul3A_262 : i32
        %add3A_264 = arith.constant 6 : i32
        %add3A_265 = arith.addi %mul3A_263, %add3A_264 : i32
        %mul3A_266 = arith.constant 16 : i32
        %mul3A_267 = arith.muli %add3A_265, %mul3A_266 : i32
        %mul3A_268 = arith.constant 2048 : i32
        %mul3A_269 = arith.muli %scan3A_82, %mul3A_268 : i32
        %add3A_270 = arith.addi %mul3A_269, %mul3A_267 : i32
        %get3A_271 = arith.index_cast %add3A_270 : i32 to index
        %get3A_272 = tpu.vector_load %arg10[%get3A_271] {strides = array<i32>} : memref<16384xf32, #tpu.memory_space<vmem>>, vector<16xf32>,
        %get3A_273 = vector.shape_cast %get3A_272 : vector<16xf32> to vector<16xf32>
        %mul3A_274 = arith.constant 2048 : i32
        %mul3A_275 = arith.muli %scan3A_82, %mul3A_274 : i32
        %add3A_276 = arith.addi %mul3A_275, %mul3A_267 : i32
        %get3A_277 = arith.index_cast %add3A_276 : i32 to index
        %get3A_278 = tpu.vector_load %arg8[%get3A_277] {strides = array<i32>} : memref<16384xf32, #tpu.memory_space<vmem>>, vector<16xf32>,
        %get3A_279 = vector.shape_cast %get3A_278 : vector<16xf32> to vector<16xf32>
        %mul3A_280 = arith.mulf %get3A_273, %get3A_279 : vector<16xf32>
        %add3A_281 = arith.addf %add3A_201, %mul3A_280 : vector<16xf32>
        %mul3A_282 = arith.constant 8 : i32
        %mul3A_283 = arith.muli %scan3A_137, %mul3A_282 : i32
        %add3A_284 = arith.constant 7 : i32
        %add3A_285 = arith.addi %mul3A_283, %add3A_284 : i32
        %mul3A_286 = arith.constant 16 : i32
        %mul3A_287 = arith.muli %add3A_285, %mul3A_286 : i32
        %mul3A_288 = arith.constant 2048 : i32
        %mul3A_289 = arith.muli %scan3A_82, %mul3A_288 : i32
        %add3A_290 = arith.addi %mul3A_289, %mul3A_287 : i32
        %get3A_291 = arith.index_cast %add3A_290 : i32 to index
        %get3A_292 = tpu.vector_load %arg10[%get3A_291] {strides = array<i32>} : memref<16384xf32, #tpu.memory_space<vmem>>, vector<16xf32>,
        %get3A_293 = vector.shape_cast %get3A_292 : vector<16xf32> to vector<16xf32>
        %mul3A_294 = arith.constant 2048 : i32
        %mul3A_295 = arith.muli %scan3A_82, %mul3A_294 : i32
        %add3A_296 = arith.addi %mul3A_295, %mul3A_287 : i32
        %get3A_297 = arith.index_cast %add3A_296 : i32 to index
        %get3A_298 = tpu.vector_load %arg8[%get3A_297] {strides = array<i32>} : memref<16384xf32, #tpu.memory_space<vmem>>, vector<16xf32>,
        %get3A_299 = vector.shape_cast %get3A_298 : vector<16xf32> to vector<16xf32>
        %mul3A_300 = arith.mulf %get3A_293, %get3A_299 : vector<16xf32>
        %add3A_301 = arith.addf %add3A_221, %mul3A_300 : vector<16xf32>
        scf.yield %add3A_241, %add3A_261, %add3A_281, %add3A_301 : vector<16xf32>, vector<16xf32>, vector<16xf32>, vector<16xf32>
      }
      %scan3A_91 = arith.constant 16 : i32
      %add3A_92 = arith.addf %scan3A_90#0, %scan3A_90#1 : vector<16xf32>
      %add3A_93 = arith.addf %scan3A_90#2, %scan3A_90#3 : vector<16xf32>
      %add3A_94 = arith.addf %add3A_92, %add3A_93 : vector<16xf32>
      %swap3A_95 = arith.constant 0 : index
      %swap3A_96 = tpu.vector_load %arg7[%swap3A_95] {strides = array<i32>} : memref<32xf32, #tpu.memory_space<vmem>>, vector<16xf32>,
      %swap3A_97 = vector.shape_cast %swap3A_96 : vector<16xf32> to vector<16xf32>
      %swap3A_98 = vector.shape_cast %add3A_94 : vector<16xf32> to vector<16xf32>
      tpu.vector_store %arg7[%swap3A_95], %swap3A_98 {strides = array<i32>} : memref<32xf32, #tpu.memory_space<vmem>>, vector<16xf32>,
      %get3A = arith.constant 8 : index
      %get3A_99 = tpu.vector_load %arg7[%get3A] {strides = array<i32>} : memref<32xf32, #tpu.memory_space<vmem>>, vector<16xf32>,
      %get3A_100 = vector.shape_cast %get3A_99 : vector<16xf32> to vector<16xf32>
      %add3A_101 = arith.addf %add3A_94, %get3A_100 : vector<16xf32>
      %swap3A_102 = arith.constant 0 : index
      %swap3A_103 = tpu.vector_load %arg7[%swap3A_102] {strides = array<i32>} : memref<32xf32, #tpu.memory_space<vmem>>, vector<16xf32>,
      %swap3A_104 = vector.shape_cast %swap3A_103 : vector<16xf32> to vector<16xf32>
      %swap3A_105 = vector.shape_cast %add3A_101 : vector<16xf32> to vector<16xf32>
      tpu.vector_store %arg7[%swap3A_102], %swap3A_105 {strides = array<i32>} : memref<32xf32, #tpu.memory_space<vmem>>, vector<16xf32>,
      %get3A_106 = arith.constant 4 : index
      %get3A_107 = tpu.vector_load %arg7[%get3A_106] {strides = array<i32>} : memref<32xf32, #tpu.memory_space<vmem>>, vector<16xf32>,
      %get3A_108 = vector.shape_cast %get3A_107 : vector<16xf32> to vector<16xf32>
      %add3A_109 = arith.addf %add3A_101, %get3A_108 : vector<16xf32>
      %swap3A_110 = arith.constant 0 : index
      %swap3A_111 = tpu.vector_load %arg7[%swap3A_110] {strides = array<i32>} : memref<32xf32, #tpu.memory_space<vmem>>, vector<16xf32>,
      %swap3A_112 = vector.shape_cast %swap3A_111 : vector<16xf32> to vector<16xf32>
      %swap3A_113 = vector.shape_cast %add3A_109 : vector<16xf32> to vector<16xf32>
      tpu.vector_store %arg7[%swap3A_110], %swap3A_113 {strides = array<i32>} : memref<32xf32, #tpu.memory_space<vmem>>, vector<16xf32>,
      %get3A_114 = arith.constant 2 : index
      %get3A_115 = tpu.vector_load %arg7[%get3A_114] {strides = array<i32>} : memref<32xf32, #tpu.memory_space<vmem>>, vector<16xf32>,
      %get3A_116 = vector.shape_cast %get3A_115 : vector<16xf32> to vector<16xf32>
      %add3A_117 = arith.addf %add3A_109, %get3A_116 : vector<16xf32>
      %swap3A_118 = arith.constant 0 : index
      %swap3A_119 = tpu.vector_load %arg7[%swap3A_118] {strides = array<i32>} : memref<32xf32, #tpu.memory_space<vmem>>, vector<16xf32>,
      %swap3A_120 = vector.shape_cast %swap3A_119 : vector<16xf32> to vector<16xf32>
      %swap3A_121 = vector.shape_cast %add3A_117 : vector<16xf32> to vector<16xf32>
      tpu.vector_store %arg7[%swap3A_118], %swap3A_121 {strides = array<i32>} : memref<32xf32, #tpu.memory_space<vmem>>, vector<16xf32>,
      %get3A_122 = arith.constant 1 : index
      %get3A_123 = tpu.vector_load %arg7[%get3A_122] {strides = array<i32>} : memref<32xf32, #tpu.memory_space<vmem>>, vector<16xf32>,
      %get3A_124 = vector.shape_cast %get3A_123 : vector<16xf32> to vector<16xf32>
      %add3A_125 = arith.addf %add3A_117, %get3A_124 : vector<16xf32>
      %get3A_126 = arith.index_cast %scan3A_82 : i32 to index
      %get3A_127 = tpu.vector_load %arg6[%get3A_126] {strides = array<i32>} : memref<32xf32, #tpu.memory_space<vmem>>, vector<16xf32>,
      %get3A_128 = vector.shape_cast %get3A_127 : vector<16xf32> to vector<16xf32>
      %add3A_129 = arith.constant 6.000000e-01 : f32
      %add3A_130 = vector.broadcast %add3A_129 : f32 to vector<16xf32>
      %add3A_131 = arith.addf %add3A_125, %add3A_130 : vector<16xf32>
      %max3A = arith.constant 0.000000e+00 : f32
      %max3A_132 = vector.broadcast %max3A : f32 to vector<16xf32>
      %max3A_133 = arith.maximumf %add3A_131, %max3A_132 : vector<16xf32>
      %mul3A_134 = arith.mulf %max3A_133, %convert_element_type3A : vector<16xf32>
      %mul3A_135 = arith.mulf %mul3A_134, %get3A_128 : vector<16xf32>
      %add3A_136 = arith.addf %scan3A_83, %mul3A_135 : vector<16xf32>
      scf.yield %add3A_136 : vector<16xf32>
    }
    %scan3A_77 = arith.constant 8 : i32
    %swap3A_78 = arith.constant 0 : index
    %swap3A_79 = tpu.vector_load %arg11[%swap3A_78] {strides = array<i32>} : memref<16xf32, #tpu.memory_space<vmem>>, vector<16xf32>,
    %swap3A_80 = vector.shape_cast %swap3A_79 : vector<16xf32> to vector<16xf32>
    %swap3A_81 = vector.shape_cast %scan3A_76 : vector<16xf32> to vector<16xf32>
    tpu.vector_store %arg11[%swap3A_78], %swap3A_81 {strides = array<i32>} : memref<16xf32, #tpu.memory_space<vmem>>, vector<16xf32>,
    "tpu.region"() ({
      %run_scoped3A = tpu.sem_alloc : memref<!tpu.dma_semaphore, #tpu.memory_space<semaphore_mem>>
      %dma_start3A_82 = arith.constant 0 : i32
      %dma_start3A_83 = tpu.memref_slice %arg5[%add3A, %dma_start3A_82] : memref<32x16xf32, #tpu.memory_space<hbm>> -> memref<1x16xf32, #tpu.memory_space<hbm>>
      %dma_start3A_84 = tpu.memref_squeeze %dma_start3A_83 : memref<1x16xf32, #tpu.memory_space<hbm>> -> memref<16xf32, #tpu.memory_space<hbm>>
      %dma_start3A_85 = arith.constant 0 : i32
      %dma_start3A_86 = tpu.memref_slice %arg5[%add3A, %dma_start3A_85] : memref<32x16xf32, #tpu.memory_space<hbm>> -> memref<1x16xf32, #tpu.memory_space<hbm>>
      %dma_start3A_87 = tpu.memref_squeeze %dma_start3A_86 : memref<1x16xf32, #tpu.memory_space<hbm>> -> memref<16xf32, #tpu.memory_space<hbm>>
      tpu.enqueue_dma source(%arg11 : memref<16xf32, #tpu.memory_space<vmem>>) target(%dma_start3A_87 : memref<16xf32, #tpu.memory_space<hbm>>) target_semaphore(%run_scoped3A : memref<!tpu.dma_semaphore, #tpu.memory_space<semaphore_mem>>)
      %dma_wait3A_88 = arith.constant 0 : i32
      %dma_wait3A_89 = tpu.memref_slice %arg5[%add3A, %dma_wait3A_88] : memref<32x16xf32, #tpu.memory_space<hbm>> -> memref<1x16xf32, #tpu.memory_space<hbm>>
      %dma_wait3A_90 = tpu.memref_squeeze %dma_wait3A_89 : memref<1x16xf32, #tpu.memory_space<hbm>> -> memref<16xf32, #tpu.memory_space<hbm>>
      %dma_wait3A_91 = arith.constant 0 : i32
      %dma_wait3A_92 = tpu.memref_slice %arg5[%add3A, %dma_wait3A_91] : memref<32x16xf32, #tpu.memory_space<hbm>> -> memref<1x16xf32, #tpu.memory_space<hbm>>
      %dma_wait3A_93 = tpu.memref_squeeze %dma_wait3A_92 : memref<1x16xf32, #tpu.memory_space<hbm>> -> memref<16xf32, #tpu.memory_space<hbm>>
      tpu.wait_dma2 semaphore(%run_scoped3A : memref<!tpu.dma_semaphore, #tpu.memory_space<semaphore_mem>>) src(%arg11 : memref<16xf32, #tpu.memory_space<vmem>>) dst(%dma_wait3A_93 : memref<16xf32, #tpu.memory_space<hbm>>)
      tpu.yield
    }) : () -> ()
    return
  }
}

module attributes {stable_mosaic.version = 14 : i64} {
  func.func @_prep_body(%arg0: i32, %arg1: memref<1x1x128xi32, #tpu.memory_space<vmem>>, %arg2: memref<1x1x128xi32, #tpu.memory_space<vmem>>, %arg3: memref<1x128x2048xi32, #tpu.memory_space<vmem>>, %arg4: memref<1x1x128xf32, #tpu.memory_space<vmem>>, %arg5: memref<1x128x2048xf32, #tpu.memory_space<vmem>>) attributes {dimension_semantics = [#tpu.dimension_semantics<arbitrary>], iteration_bounds = array<i64: 2>, scalar_prefetch = 0 : i64, scratch_operands = 0 : i64, tpu.core_type = #tpu.core_type<tc>, window_params = [{transform_indices = @transform_0, window_bounds = array<i64: 1, 1, 128>}, {transform_indices = @transform_1, window_bounds = array<i64: 1, 1, 128>}, {transform_indices = @transform_2, window_bounds = array<i64: 1, 128, 2048>}, {transform_indices = @transform_3, window_bounds = array<i64: 1, 1, 128>}, {transform_indices = @transform_4, window_bounds = array<i64: 1, 128, 2048>}]} {
    %get3A = arith.constant 0 : index
    %get3A_0 = arith.constant 0 : index
    %get3A_1 = arith.constant 0 : index
    %get3A_2 = vector.load %arg1[%get3A, %get3A_0, %get3A_1] : memref<1x1x128xi32, #tpu.memory_space<vmem>>, vector<1x1x128xi32>
    %get3A_3 = vector.shape_cast %get3A_2 : vector<1x1x128xi32> to vector<1x128xi32>
    %get3A_4 = arith.constant 0 : index
    %get3A_5 = arith.constant 0 : index
    %get3A_6 = arith.constant 0 : index
    %get3A_7 = vector.load %arg2[%get3A_4, %get3A_5, %get3A_6] : memref<1x1x128xi32, #tpu.memory_space<vmem>>, vector<1x1x128xi32>
    %get3A_8 = vector.shape_cast %get3A_7 : vector<1x1x128xi32> to vector<1x128xi32>
    %iota3A = tpu.iota {dimensions = array<i32: 0>} : vector<128x128xi32>
    %broadcast_in_dim3A = vector.shape_cast %get3A_3 : vector<1x128xi32> to vector<1x128xi32>
    %broadcast_in_dim3A_9 = vector.broadcast %broadcast_in_dim3A : vector<1x128xi32> to vector<128x128xi32>
    %eq3A = arith.cmpi eq, %broadcast_in_dim3A_9, %iota3A : vector<128x128xi32>
    %convert_element_type3A = arith.extui %eq3A : vector<128x128xi1> to vector<128x128xi32>
    %convert_element_type3A_10 = arith.sitofp %convert_element_type3A : vector<128x128xi32> to vector<128x128xf32>
    %broadcast_in_dim3A_11 = vector.shape_cast %get3A_8 : vector<1x128xi32> to vector<1x128xi32>
    %broadcast_in_dim3A_12 = vector.broadcast %broadcast_in_dim3A_11 : vector<1x128xi32> to vector<128x128xi32>
    %eq3A_13 = arith.cmpi eq, %broadcast_in_dim3A_12, %iota3A : vector<128x128xi32>
    %convert_element_type3A_14 = arith.extui %eq3A_13 : vector<128x128xi1> to vector<128x128xi32>
    %convert_element_type3A_15 = arith.sitofp %convert_element_type3A_14 : vector<128x128xi32> to vector<128x128xf32>
    %dot_general3A = arith.constant dense<0.000000e+00> : vector<128x128xf32>
    %dot_general3A_16 = tpu.matmul %convert_element_type3A_10, %convert_element_type3A_10, %dot_general3A {dimension_numbers = #tpu.dot_dimension_numbers<[0], [0], [1], [1], [0, 1, 1, 1], [], []>, transpose_lhs_hint = false} : vector<128x128xf32>, vector<128x128xf32>, vector<128x128xf32> -> vector<128x128xf32>
    %iota3A_17 = tpu.iota {dimensions = array<i32: 0>} : vector<128x128xi32>
    %gt3A = arith.constant 5.000000e-01 : f32
    %gt3A_18 = vector.broadcast %gt3A : f32 to vector<128x128xf32>
    %gt3A_19 = arith.cmpf ogt, %dot_general3A_16, %gt3A_18 : vector<128x128xf32>
    %jit3A = arith.constant 128 : i32
    %broadcast_in_dim3A_20 = vector.broadcast %jit3A : i32 to vector<128x128xi32>
    %select_n3A = arith.select %gt3A_19, %iota3A_17, %broadcast_in_dim3A_20 : vector<128x128xi1>, vector<128x128xi32>
    %reduce_min3A = arith.constant dense<2147483647> : vector<128xi32>
    %reduce_min3A_21 = vector.multi_reduction <minsi>, %select_n3A, %reduce_min3A [0] : vector<128x128xi32> to vector<128xi32>
    %broadcast_in_dim3A_22 = vector.shape_cast %reduce_min3A_21 : vector<128xi32> to vector<1x128xi32>
    %iota3A_23 = tpu.iota {dimensions = array<i32: 1>} : vector<1x128xi32>
    %eq3A_24 = arith.cmpi eq, %broadcast_in_dim3A_22, %iota3A_23 : vector<1x128xi32>
    %convert_element_type3A_25 = arith.extui %eq3A_24 : vector<1x128xi1> to vector<1x128xi32>
    %convert_element_type3A_26 = arith.sitofp %convert_element_type3A_25 : vector<1x128xi32> to vector<1x128xf32>
    %swap3A = arith.constant 0 : index
    %swap3A_27 = arith.constant 0 : index
    %swap3A_28 = arith.constant 0 : index
    %swap3A_29 = vector.load %arg4[%swap3A, %swap3A_27, %swap3A_28] : memref<1x1x128xf32, #tpu.memory_space<vmem>>, vector<1x1x128xf32>
    %swap3A_30 = vector.shape_cast %swap3A_29 : vector<1x1x128xf32> to vector<1x128xf32>
    %swap3A_31 = vector.shape_cast %convert_element_type3A_26 : vector<1x128xf32> to vector<1x1x128xf32>
    tpu.vector_store %arg4[%swap3A, %swap3A_27, %swap3A_28], %swap3A_31 {strides = array<i32>} : memref<1x1x128xf32, #tpu.memory_space<vmem>>, vector<1x1x128xf32>,
    %get3A_32 = arith.constant 0 : index
    %get3A_33 = arith.constant 0 : index
    %get3A_34 = arith.constant 0 : index
    %get3A_35 = vector.load %arg3[%get3A_32, %get3A_33, %get3A_34] : memref<1x128x2048xi32, #tpu.memory_space<vmem>>, vector<1x128x2048xi32>
    %get3A_36 = vector.shape_cast %get3A_35 : vector<1x128x2048xi32> to vector<128x2048xi32>
    %convert_element_type3A_37 = arith.sitofp %get3A_36 : vector<128x2048xi32> to vector<128x2048xf32>
    %mul3A = arith.constant 2.000000e+00 : f32
    %mul3A_38 = vector.broadcast %mul3A : f32 to vector<128x2048xf32>
    %mul3A_39 = arith.mulf %mul3A_38, %convert_element_type3A_37 : vector<128x2048xf32>
    %sub3A = arith.constant 1.000000e+00 : f32
    %sub3A_40 = vector.broadcast %sub3A : f32 to vector<128x2048xf32>
    %sub3A_41 = arith.subf %sub3A_40, %mul3A_39 : vector<128x2048xf32>
    %dot_general3A_42 = arith.constant dense<0.000000e+00> : vector<128x2048xf32>
    %dot_general3A_43 = tpu.matmul %convert_element_type3A_15, %sub3A_41, %dot_general3A_42 {dimension_numbers = #tpu.dot_dimension_numbers<[0], [0], [1], [1], [0, 1, 1, 1], [], []>, transpose_lhs_hint = false} : vector<128x128xf32>, vector<128x2048xf32>, vector<128x2048xf32> -> vector<128x2048xf32>
    %swap3A_44 = arith.constant 0 : index
    %swap3A_45 = arith.constant 0 : index
    %swap3A_46 = arith.constant 0 : index
    %swap3A_47 = vector.load %arg5[%swap3A_44, %swap3A_45, %swap3A_46] : memref<1x128x2048xf32, #tpu.memory_space<vmem>>, vector<1x128x2048xf32>
    %swap3A_48 = vector.shape_cast %swap3A_47 : vector<1x128x2048xf32> to vector<128x2048xf32>
    %swap3A_49 = vector.shape_cast %dot_general3A_43 : vector<128x2048xf32> to vector<1x128x2048xf32>
    tpu.vector_store %arg5[%swap3A_44, %swap3A_45, %swap3A_46], %swap3A_49 {strides = array<i32>} : memref<1x128x2048xf32, #tpu.memory_space<vmem>>, vector<1x128x2048xf32>,
    return
  }
  func.func @transform_0(%arg0: i32) -> (i32, i32, i32) {
    %c0_i32 = arith.constant 0 : i32
    %c0_i32_0 = arith.constant 0 : i32
    %c0_i32_1 = arith.constant 0 : i32
    return %arg0, %c0_i32, %c0_i32_0 : i32, i32, i32
  }
  func.func @transform_1(%arg0: i32) -> (i32, i32, i32) {
    %c0_i32 = arith.constant 0 : i32
    %c0_i32_0 = arith.constant 0 : i32
    %c0_i32_1 = arith.constant 0 : i32
    return %arg0, %c0_i32, %c0_i32_0 : i32, i32, i32
  }
  func.func @transform_2(%arg0: i32) -> (i32, i32, i32) {
    %c0_i32 = arith.constant 0 : i32
    %c0_i32_0 = arith.constant 0 : i32
    %c0_i32_1 = arith.constant 0 : i32
    return %arg0, %c0_i32, %c0_i32_0 : i32, i32, i32
  }
  func.func @transform_3(%arg0: i32) -> (i32, i32, i32) {
    %c0_i32 = arith.constant 0 : i32
    %c0_i32_0 = arith.constant 0 : i32
    %c0_i32_1 = arith.constant 0 : i32
    return %arg0, %c0_i32, %c0_i32_0 : i32, i32, i32
  }
  func.func @transform_4(%arg0: i32) -> (i32, i32, i32) {
    %c0_i32 = arith.constant 0 : i32
    %c0_i32_0 = arith.constant 0 : i32
    %c0_i32_1 = arith.constant 0 : i32
    return %arg0, %c0_i32, %c0_i32_0 : i32, i32, i32
  }
}

module attributes {stable_mosaic.version = 14 : i64} {
  func.func @_tc_body(%arg0: i32, %arg1: memref<1x1x128xi32, #tpu.memory_space<vmem>>, %arg2: memref<1x1x128xi32, #tpu.memory_space<vmem>>, %arg3: memref<1x128x2048xi32, #tpu.memory_space<vmem>>, %arg4: memref<4x1x128x2048xf32, #tpu.memory_space<vmem>>, %arg5: memref<8x128xf32, #tpu.memory_space<vmem>>) attributes {dimension_semantics = [#tpu.dimension_semantics<arbitrary>], iteration_bounds = array<i64: 14>, scalar_prefetch = 0 : i64, scratch_operands = 0 : i64, tpu.core_type = #tpu.core_type<tc>, window_params = [{transform_indices = @transform_0, window_bounds = array<i64: 1, 1, 128>}, {transform_indices = @transform_1, window_bounds = array<i64: 1, 1, 128>}, {transform_indices = @transform_2, window_bounds = array<i64: 1, 128, 2048>}, {transform_indices = @transform_3, window_bounds = array<i64: 4, 1, 128, 2048>}, {pipeline_mode = #tpu.pipeline_mode<synchronous>, transform_indices = @transform_4, window_bounds = array<i64: 8, 128>}]} {
    %get3A = arith.constant 0 : index
    %get3A_0 = arith.constant 0 : index
    %get3A_1 = arith.constant 0 : index
    %get3A_2 = vector.load %arg1[%get3A, %get3A_0, %get3A_1] : memref<1x1x128xi32, #tpu.memory_space<vmem>>, vector<1x1x128xi32>
    %get3A_3 = vector.shape_cast %get3A_2 : vector<1x1x128xi32> to vector<1x128xi32>
    %get3A_4 = arith.constant 0 : index
    %get3A_5 = arith.constant 0 : index
    %get3A_6 = arith.constant 0 : index
    %get3A_7 = vector.load %arg2[%get3A_4, %get3A_5, %get3A_6] : memref<1x1x128xi32, #tpu.memory_space<vmem>>, vector<1x1x128xi32>
    %get3A_8 = vector.shape_cast %get3A_7 : vector<1x1x128xi32> to vector<1x128xi32>
    %iota3A = tpu.iota {dimensions = array<i32: 0>} : vector<128x128xi32>
    %broadcast_in_dim3A = vector.shape_cast %get3A_3 : vector<1x128xi32> to vector<1x128xi32>
    %broadcast_in_dim3A_9 = vector.broadcast %broadcast_in_dim3A : vector<1x128xi32> to vector<128x128xi32>
    %eq3A = arith.cmpi eq, %broadcast_in_dim3A_9, %iota3A : vector<128x128xi32>
    %convert_element_type3A = arith.extui %eq3A : vector<128x128xi1> to vector<128x128xi32>
    %convert_element_type3A_10 = arith.sitofp %convert_element_type3A : vector<128x128xi32> to vector<128x128xf32>
    %broadcast_in_dim3A_11 = vector.shape_cast %get3A_8 : vector<1x128xi32> to vector<1x128xi32>
    %broadcast_in_dim3A_12 = vector.broadcast %broadcast_in_dim3A_11 : vector<1x128xi32> to vector<128x128xi32>
    %eq3A_13 = arith.cmpi eq, %broadcast_in_dim3A_12, %iota3A : vector<128x128xi32>
    %convert_element_type3A_14 = arith.extui %eq3A_13 : vector<128x128xi1> to vector<128x128xi32>
    %convert_element_type3A_15 = arith.sitofp %convert_element_type3A_14 : vector<128x128xi32> to vector<128x128xf32>
    %dot_general3A = arith.constant dense<0.000000e+00> : vector<128x128xf32>
    %dot_general3A_16 = tpu.matmul %convert_element_type3A_10, %convert_element_type3A_10, %dot_general3A {dimension_numbers = #tpu.dot_dimension_numbers<[0], [0], [1], [1], [0, 1, 1, 1], [], []>, transpose_lhs_hint = false} : vector<128x128xf32>, vector<128x128xf32>, vector<128x128xf32> -> vector<128x128xf32>
    %iota3A_17 = tpu.iota {dimensions = array<i32: 1>} : vector<128x128xi32>
    %gt3A = arith.constant 5.000000e-01 : f32
    %gt3A_18 = vector.broadcast %gt3A : f32 to vector<128x128xf32>
    %gt3A_19 = arith.cmpf ogt, %dot_general3A_16, %gt3A_18 : vector<128x128xf32>
    %jit3A = arith.constant 128 : i32
    %broadcast_in_dim3A_20 = vector.broadcast %jit3A : i32 to vector<128x128xi32>
    %select_n3A = arith.select %gt3A_19, %iota3A_17, %broadcast_in_dim3A_20 : vector<128x128xi1>, vector<128x128xi32>
    %reduce_min3A = arith.constant dense<2147483647> : vector<128xi32>
    %reduce_min3A_21 = vector.multi_reduction <minsi>, %select_n3A, %reduce_min3A [1] : vector<128x128xi32> to vector<128xi32>
    %broadcast_in_dim3A_22 = vector.shape_cast %reduce_min3A_21 : vector<128xi32> to vector<128x1xi32>
    %iota3A_23 = tpu.iota {dimensions = array<i32: 0>} : vector<128x1xi32>
    %eq3A_24 = arith.cmpi eq, %broadcast_in_dim3A_22, %iota3A_23 : vector<128x1xi32>
    %convert_element_type3A_25 = arith.extui %eq3A_24 : vector<128x1xi1> to vector<128x1xi32>
    %convert_element_type3A_26 = arith.sitofp %convert_element_type3A_25 : vector<128x1xi32> to vector<128x1xf32>
    %get3A_27 = arith.constant 0 : index
    %get3A_28 = arith.constant 0 : index
    %get3A_29 = arith.constant 0 : index
    %get3A_30 = vector.load %arg3[%get3A_27, %get3A_28, %get3A_29] : memref<1x128x2048xi32, #tpu.memory_space<vmem>>, vector<1x128x2048xi32>
    %get3A_31 = vector.shape_cast %get3A_30 : vector<1x128x2048xi32> to vector<128x2048xi32>
    %convert_element_type3A_32 = arith.sitofp %get3A_31 : vector<128x2048xi32> to vector<128x2048xf32>
    %mul3A = arith.constant 2.000000e+00 : f32
    %mul3A_33 = vector.broadcast %mul3A : f32 to vector<128x2048xf32>
    %mul3A_34 = arith.mulf %mul3A_33, %convert_element_type3A_32 : vector<128x2048xf32>
    %sub3A = arith.constant 1.000000e+00 : f32
    %sub3A_35 = vector.broadcast %sub3A : f32 to vector<128x2048xf32>
    %sub3A_36 = arith.subf %sub3A_35, %mul3A_34 : vector<128x2048xf32>
    %dot_general3A_37 = arith.constant dense<0.000000e+00> : vector<128x2048xf32>
    %dot_general3A_38 = tpu.matmul %convert_element_type3A_15, %sub3A_36, %dot_general3A_37 {dimension_numbers = #tpu.dot_dimension_numbers<[0], [0], [1], [1], [0, 1, 1, 1], [], []>, transpose_lhs_hint = false} : vector<128x128xf32>, vector<128x2048xf32>, vector<128x2048xf32> -> vector<128x2048xf32>
    %get3A_39 = arith.constant 0 : index
    %get3A_40 = arith.constant 0 : index
    %get3A_41 = arith.constant 0 : index
    %get3A_42 = arith.constant 0 : index
    %get3A_43 = vector.load %arg4[%get3A_39, %get3A_40, %get3A_41, %get3A_42] : memref<4x1x128x2048xf32, #tpu.memory_space<vmem>>, vector<1x1x128x2048xf32>
    %get3A_44 = vector.shape_cast %get3A_43 : vector<1x1x128x2048xf32> to vector<128x2048xf32>
    %mul3A_45 = arith.mulf %get3A_44, %dot_general3A_38 : vector<128x2048xf32>
    %reduce_sum3A = arith.constant dense<0.000000e+00> : vector<128xf32>
    %reduce_sum3A_46 = vector.multi_reduction <add>, %mul3A_45, %reduce_sum3A [1] : vector<128x2048xf32> to vector<128xf32>
    %broadcast_in_dim3A_47 = vector.shape_cast %reduce_sum3A_46 : vector<128xf32> to vector<128x1xf32>
    %add3A = arith.constant 6.000000e-01 : f32
    %add3A_48 = vector.broadcast %add3A : f32 to vector<128x1xf32>
    %add3A_49 = arith.addf %broadcast_in_dim3A_47, %add3A_48 : vector<128x1xf32>
    %max3A = arith.constant 0.000000e+00 : f32
    %max3A_50 = vector.broadcast %max3A : f32 to vector<128x1xf32>
    %max3A_51 = arith.maximumf %add3A_49, %max3A_50 : vector<128x1xf32>
    %mul3A_52 = arith.mulf %max3A_51, %convert_element_type3A_26 : vector<128x1xf32>
    %reduce_sum3A_53 = vector.shape_cast %mul3A_52 : vector<128x1xf32> to vector<1x128x1xf32>
    %reduce_sum3A_54 = arith.constant dense<0.000000e+00> : vector<1xf32>
    %reduce_sum3A_55 = vector.multi_reduction <add>, %reduce_sum3A_53, %reduce_sum3A_54 [1, 2] : vector<1x128x1xf32> to vector<1xf32>
    %reduce_sum3A_56 = vector.shape_cast %reduce_sum3A_55 : vector<1xf32> to vector<1x1x1xf32>
    %reduce_sum3A_57 = vector.extract %reduce_sum3A_56[0, 0, 0] : f32 from vector<1x1x1xf32>
    %add3A_58 = arith.constant 0.000000e+00 : f32
    %add3A_59 = arith.addf %add3A_58, %reduce_sum3A_57 : f32
    %get3A_60 = arith.constant 1 : index
    %get3A_61 = arith.constant 0 : index
    %get3A_62 = arith.constant 0 : index
    %get3A_63 = arith.constant 0 : index
    %get3A_64 = vector.load %arg4[%get3A_60, %get3A_61, %get3A_62, %get3A_63] : memref<4x1x128x2048xf32, #tpu.memory_space<vmem>>, vector<1x1x128x2048xf32>
    %get3A_65 = vector.shape_cast %get3A_64 : vector<1x1x128x2048xf32> to vector<128x2048xf32>
    %mul3A_66 = arith.mulf %get3A_65, %dot_general3A_38 : vector<128x2048xf32>
    %reduce_sum3A_67 = arith.constant dense<0.000000e+00> : vector<128xf32>
    %reduce_sum3A_68 = vector.multi_reduction <add>, %mul3A_66, %reduce_sum3A_67 [1] : vector<128x2048xf32> to vector<128xf32>
    %broadcast_in_dim3A_69 = vector.shape_cast %reduce_sum3A_68 : vector<128xf32> to vector<128x1xf32>
    %add3A_70 = arith.constant 6.000000e-01 : f32
    %add3A_71 = vector.broadcast %add3A_70 : f32 to vector<128x1xf32>
    %add3A_72 = arith.addf %broadcast_in_dim3A_69, %add3A_71 : vector<128x1xf32>
    %max3A_73 = arith.constant 0.000000e+00 : f32
    %max3A_74 = vector.broadcast %max3A_73 : f32 to vector<128x1xf32>
    %max3A_75 = arith.maximumf %add3A_72, %max3A_74 : vector<128x1xf32>
    %mul3A_76 = arith.mulf %max3A_75, %convert_element_type3A_26 : vector<128x1xf32>
    %reduce_sum3A_77 = vector.shape_cast %mul3A_76 : vector<128x1xf32> to vector<1x128x1xf32>
    %reduce_sum3A_78 = arith.constant dense<0.000000e+00> : vector<1xf32>
    %reduce_sum3A_79 = vector.multi_reduction <add>, %reduce_sum3A_77, %reduce_sum3A_78 [1, 2] : vector<1x128x1xf32> to vector<1xf32>
    %reduce_sum3A_80 = vector.shape_cast %reduce_sum3A_79 : vector<1xf32> to vector<1x1x1xf32>
    %reduce_sum3A_81 = vector.extract %reduce_sum3A_80[0, 0, 0] : f32 from vector<1x1x1xf32>
    %add3A_82 = arith.addf %add3A_59, %reduce_sum3A_81 : f32
    %get3A_83 = arith.constant 2 : index
    %get3A_84 = arith.constant 0 : index
    %get3A_85 = arith.constant 0 : index
    %get3A_86 = arith.constant 0 : index
    %get3A_87 = vector.load %arg4[%get3A_83, %get3A_84, %get3A_85, %get3A_86] : memref<4x1x128x2048xf32, #tpu.memory_space<vmem>>, vector<1x1x128x2048xf32>
    %get3A_88 = vector.shape_cast %get3A_87 : vector<1x1x128x2048xf32> to vector<128x2048xf32>
    %mul3A_89 = arith.mulf %get3A_88, %dot_general3A_38 : vector<128x2048xf32>
    %reduce_sum3A_90 = arith.constant dense<0.000000e+00> : vector<128xf32>
    %reduce_sum3A_91 = vector.multi_reduction <add>, %mul3A_89, %reduce_sum3A_90 [1] : vector<128x2048xf32> to vector<128xf32>
    %broadcast_in_dim3A_92 = vector.shape_cast %reduce_sum3A_91 : vector<128xf32> to vector<128x1xf32>
    %add3A_93 = arith.constant 6.000000e-01 : f32
    %add3A_94 = vector.broadcast %add3A_93 : f32 to vector<128x1xf32>
    %add3A_95 = arith.addf %broadcast_in_dim3A_92, %add3A_94 : vector<128x1xf32>
    %max3A_96 = arith.constant 0.000000e+00 : f32
    %max3A_97 = vector.broadcast %max3A_96 : f32 to vector<128x1xf32>
    %max3A_98 = arith.maximumf %add3A_95, %max3A_97 : vector<128x1xf32>
    %mul3A_99 = arith.mulf %max3A_98, %convert_element_type3A_26 : vector<128x1xf32>
    %reduce_sum3A_100 = vector.shape_cast %mul3A_99 : vector<128x1xf32> to vector<1x128x1xf32>
    %reduce_sum3A_101 = arith.constant dense<0.000000e+00> : vector<1xf32>
    %reduce_sum3A_102 = vector.multi_reduction <add>, %reduce_sum3A_100, %reduce_sum3A_101 [1, 2] : vector<1x128x1xf32> to vector<1xf32>
    %reduce_sum3A_103 = vector.shape_cast %reduce_sum3A_102 : vector<1xf32> to vector<1x1x1xf32>
    %reduce_sum3A_104 = vector.extract %reduce_sum3A_103[0, 0, 0] : f32 from vector<1x1x1xf32>
    %add3A_105 = arith.addf %add3A_82, %reduce_sum3A_104 : f32
    %get3A_106 = arith.constant 3 : index
    %get3A_107 = arith.constant 0 : index
    %get3A_108 = arith.constant 0 : index
    %get3A_109 = arith.constant 0 : index
    %get3A_110 = vector.load %arg4[%get3A_106, %get3A_107, %get3A_108, %get3A_109] : memref<4x1x128x2048xf32, #tpu.memory_space<vmem>>, vector<1x1x128x2048xf32>
    %get3A_111 = vector.shape_cast %get3A_110 : vector<1x1x128x2048xf32> to vector<128x2048xf32>
    %mul3A_112 = arith.mulf %get3A_111, %dot_general3A_38 : vector<128x2048xf32>
    %reduce_sum3A_113 = arith.constant dense<0.000000e+00> : vector<128xf32>
    %reduce_sum3A_114 = vector.multi_reduction <add>, %mul3A_112, %reduce_sum3A_113 [1] : vector<128x2048xf32> to vector<128xf32>
    %broadcast_in_dim3A_115 = vector.shape_cast %reduce_sum3A_114 : vector<128xf32> to vector<128x1xf32>
    %add3A_116 = arith.constant 6.000000e-01 : f32
    %add3A_117 = vector.broadcast %add3A_116 : f32 to vector<128x1xf32>
    %add3A_118 = arith.addf %broadcast_in_dim3A_115, %add3A_117 : vector<128x1xf32>
    %max3A_119 = arith.constant 0.000000e+00 : f32
    %max3A_120 = vector.broadcast %max3A_119 : f32 to vector<128x1xf32>
    %max3A_121 = arith.maximumf %add3A_118, %max3A_120 : vector<128x1xf32>
    %mul3A_122 = arith.mulf %max3A_121, %convert_element_type3A_26 : vector<128x1xf32>
    %reduce_sum3A_123 = vector.shape_cast %mul3A_122 : vector<128x1xf32> to vector<1x128x1xf32>
    %reduce_sum3A_124 = arith.constant dense<0.000000e+00> : vector<1xf32>
    %reduce_sum3A_125 = vector.multi_reduction <add>, %reduce_sum3A_123, %reduce_sum3A_124 [1, 2] : vector<1x128x1xf32> to vector<1xf32>
    %reduce_sum3A_126 = vector.shape_cast %reduce_sum3A_125 : vector<1xf32> to vector<1x1x1xf32>
    %reduce_sum3A_127 = vector.extract %reduce_sum3A_126[0, 0, 0] : f32 from vector<1x1x1xf32>
    %add3A_128 = arith.addf %add3A_105, %reduce_sum3A_127 : f32
    %reduce_sum3A_129 = vector.shape_cast %convert_element_type3A_26 : vector<128x1xf32> to vector<1x128x1xf32>
    %reduce_sum3A_130 = arith.constant dense<0.000000e+00> : vector<1xf32>
    %reduce_sum3A_131 = vector.multi_reduction <add>, %reduce_sum3A_129, %reduce_sum3A_130 [1, 2] : vector<1x128x1xf32> to vector<1xf32>
    %reduce_sum3A_132 = vector.shape_cast %reduce_sum3A_131 : vector<1xf32> to vector<1x1x1xf32>
    %reduce_sum3A_133 = vector.extract %reduce_sum3A_132[0, 0, 0] : f32 from vector<1x1x1xf32>
    %sub3A_134 = arith.constant 1.280000e+02 : f32
    %sub3A_135 = arith.subf %sub3A_134, %reduce_sum3A_133 : f32
    %mul3A_136 = arith.constant 4.000000e+00 : f32
    %mul3A_137 = arith.mulf %mul3A_136, %sub3A_135 : f32
    %mul3A_138 = arith.constant 6.000000e-01 : f32
    %mul3A_139 = arith.mulf %mul3A_137, %mul3A_138 : f32
    %add3A_140 = arith.addf %add3A_128, %mul3A_139 : f32
    %broadcast_in_dim3A_141 = vector.broadcast %add3A_140 : f32 to vector<8x128xf32>
    %eq3A_142 = arith.constant 0 : i32
    %eq3A_143 = arith.cmpi eq, %arg0, %eq3A_142 : i32
    %convert_element_type3A_144 = arith.extui %eq3A_143 : i1 to i32
    %cond3A = arith.constant 0 : i32
    %cond3A_145 = arith.cmpi ne, %convert_element_type3A_144, %cond3A : i32
    scf.if %cond3A_145 {
      %swap3A = arith.constant 0 : index
      %swap3A_151 = arith.constant 0 : index
      %swap3A_152 = vector.load %arg5[%swap3A, %swap3A_151] : memref<8x128xf32, #tpu.memory_space<vmem>>, vector<8x128xf32>
      tpu.vector_store %arg5[%swap3A, %swap3A_151], %broadcast_in_dim3A_141 {strides = array<i32>} : memref<8x128xf32, #tpu.memory_space<vmem>>, vector<8x128xf32>,
    } else {
    }
    %gt3A_146 = arith.constant 0 : i32
    %gt3A_147 = arith.cmpi sgt, %arg0, %gt3A_146 : i32
    %convert_element_type3A_148 = arith.extui %gt3A_147 : i1 to i32
    %cond3A_149 = arith.constant 0 : i32
    %cond3A_150 = arith.cmpi ne, %convert_element_type3A_148, %cond3A_149 : i32
    scf.if %cond3A_150 {
      %get3A_151 = arith.constant 0 : index
      %get3A_152 = arith.constant 0 : index
      %get3A_153 = vector.load %arg5[%get3A_151, %get3A_152] : memref<8x128xf32, #tpu.memory_space<vmem>>, vector<8x128xf32>
      %add3A_154 = arith.addf %get3A_153, %broadcast_in_dim3A_141 : vector<8x128xf32>
      %swap3A = arith.constant 0 : index
      %swap3A_155 = arith.constant 0 : index
      %swap3A_156 = vector.load %arg5[%swap3A, %swap3A_155] : memref<8x128xf32, #tpu.memory_space<vmem>>, vector<8x128xf32>
      tpu.vector_store %arg5[%swap3A, %swap3A_155], %add3A_154 {strides = array<i32>} : memref<8x128xf32, #tpu.memory_space<vmem>>, vector<8x128xf32>,
    } else {
    }
    return
  }
  func.func @transform_0(%arg0: i32) -> (i32, i32, i32) {
    %add3A = arith.constant 2 : i32
    %add3A_0 = arith.addi %arg0, %add3A : i32
    %c0_i32 = arith.constant 0 : i32
    %c0_i32_1 = arith.constant 0 : i32
    %c0_i32_2 = arith.constant 0 : i32
    return %add3A_0, %c0_i32, %c0_i32_1 : i32, i32, i32
  }
  func.func @transform_1(%arg0: i32) -> (i32, i32, i32) {
    %add3A = arith.constant 2 : i32
    %add3A_0 = arith.addi %arg0, %add3A : i32
    %c0_i32 = arith.constant 0 : i32
    %c0_i32_1 = arith.constant 0 : i32
    %c0_i32_2 = arith.constant 0 : i32
    return %add3A_0, %c0_i32, %c0_i32_1 : i32, i32, i32
  }
  func.func @transform_2(%arg0: i32) -> (i32, i32, i32) {
    %add3A = arith.constant 2 : i32
    %add3A_0 = arith.addi %arg0, %add3A : i32
    %c0_i32 = arith.constant 0 : i32
    %c0_i32_1 = arith.constant 0 : i32
    %c0_i32_2 = arith.constant 0 : i32
    return %add3A_0, %c0_i32, %c0_i32_1 : i32, i32, i32
  }
  func.func @transform_3(%arg0: i32) -> (i32, i32, i32, i32) {
    %add3A = arith.constant 2 : i32
    %add3A_0 = arith.addi %arg0, %add3A : i32
    %c0_i32 = arith.constant 0 : i32
    %c0_i32_1 = arith.constant 0 : i32
    %c0_i32_2 = arith.constant 0 : i32
    %c0_i32_3 = arith.constant 0 : i32
    return %c0_i32, %add3A_0, %c0_i32_1, %c0_i32_2 : i32, i32, i32, i32
  }
  func.func @transform_4(%arg0: i32) -> (i32, i32) {
    %c0_i32 = arith.constant 0 : i32
    %c0_i32_0 = arith.constant 0 : i32
    %c0_i32_1 = arith.constant 0 : i32
    return %c0_i32, %c0_i32_0 : i32, i32
  }
}

</mosaic_0001>

<sc_bundles>
// kernel: kernel.5.cloned.1.call-start
scs
__scs_entry_jumppad:
0x0: {  	(pc) =	sbr.rel $0x88, $3  }
0x1: {  	(tag) =	ssettag $0x0;
	lr =	simm.s32 $0x1  }
0x2: {  	[smem:$0x3F9D] =	sst lr;
	_ =	strace $0xD0000000  }
0x3: {  	_ = 	snop  }
0x4: {  	_ = 	snop  }
0x5: {  	_ = 	snop  }
0x6: {  	_ = 	snop  }
0x7: {  	_ = 	snop  }
__scs_overlays_trampoline_lowered:
0x8: {  	[smem:$0x3FAC] =	sst s0  }
0x9: {  	[smem:$0x3FAD] =	sst s1  }
0xa: {  	[smem:$0x3FAE] =	sst s2  }
0xb: {  	[smem:$0x3FAF] =	sst s3  }
0xc: {  	[smem:$0x3FB0] =	sst s4  }
0xd: {  	[smem:$0x3FB1] =	sst s5  }
0xe: {  	[smem:$0x3FB2] =	sst s6  }
0xf: {  	[smem:$0x3FB3] =	sst s7  }
0x10: {  	[smem:$0x3FB4] =	sst s8  }
0x11: {  	[smem:$0x3FB5] =	sst s9;
	s0 =	simm.s32 @!p0 $0x0  }
0x12: {  	s1 =	sld [smem:$0x3F9B];
	s0 =	simm.s32 @p0 $0x1  }
0x13: {  	[smem:$0x3FB6] =	sst s0;
	s0 =	simm.s32 @!p1 $0x0  }
0x14: {  	s2 =	sld [smem:$0x3F9A];
	s0 =	simm.s32 @p1 $0x1  }
0x15: {  	[smem:$0x3FB7] =	sst s0;
	s0 =	simm.s32 @!p2 $0x0  }
0x16: {  	s3 =	sld [smem:$0x3FDB];
	s0 =	simm.s32 @p2 $0x1  }
0x17: {  	s4 =	simm.s32 $0x1BF5;
	[smem:$0x3FB9] =	sst s0  }
0x18: {  	s0 =	sld [smem:$0x3F9C];
	_ =	swait.ge [sflag:s4], $0x0  }
0x19: {  	s7 =	sld [smem:$0x3F9D]  }
0x1a: {  	s8 =	sadd.s32 $0xFFFFE003, lr  }
0x1b: {  	s9 =	sadd.s32 $0xFFFFFEF7, lr;
	s5 =	simm.s32 $0xFFFFFFFF;
	p2 =	slt.u32 s8, $0xFFFFF086  }
0x1c: {  	p1 =	slt.u32 s9, $0xF7A;
	s5 =	simm.s32 @!p2 $0x0  }
0x1d: {  	s5 =	simm.s32 @p1 $0x1;
	p0 =	seq.s32 s7, s2  }
0x1e: {  	s7 =	smul.u32 @!p0 $0xF7A, s2;
	p2 =	seq.s32 @!p0 s5, $0x0  }
0x1f: {  	s9 =	smul.u32 $0xF7A, s1;
	s8 =	simm.s32 @!p0 $0x1BF5;
	p2 =	por !p2, p0  }
0x20: {  	[sflag:s8] =	ssyncset.s32 @!p0 $0xFFFFF086;
	s6 =	sadd.s32 @!p0 s3, s7;
	s7 =	simm.s32 @!p0 $0x108  }
0x21: {  	s3 =	sadd.s32 s3, s9;
	s6 =	sadd.s32 @!p0 $0x88, s6;
	s7 =	simm.s32 @p2 $0x1082  }
0x22: {  	[simem:s7], [sflag:s8] =	dma.local @!p0 [hbm:s6], $0xF7A  }
0x23: {  	s9 =	sor.u32 $0xD0000000, s2;
	s6 =	simm.s32 $0x108;
	_ =	swait.ge @!p0 [sflag:s8], $0x0  }
0x24: {  	s3 =	sadd.s32 $0x88, s3;
	s6 =	simm.s32 @!p1 $0x1082;
	[sflag:s4] =	ssyncset.s32 $0xFFFFF086  }
0x25: {  	[simem:s6], [sflag:s4] =	dma.local [hbm:s3], $0xF7A  }
0x26: {  	[smem:$0x3F9D] =	sst s1;
	(tag) =	ssettag s2;
	_ =	strace s9  }
0x27: {  	s1 =	sld [smem:$0x3FAD]  }
0x28: {  	s2 =	sld [smem:$0x3FAE]  }
0x29: {  	s4 =	sld [smem:$0x3FB0]  }
0x2a: {  	p0 =	seq.s32 s5, $0x0;
	s5 =	sld [smem:$0x3FB1]  }
0x2b: {  	s6 =	sld [smem:$0x3FB2]  }
0x2c: {  	s7 =	sld [smem:$0x3FB3]  }
0x2d: {  	s3 =	simm.s32 $0x108;
	s8 =	sld [smem:$0x3FB4]  }
0x2e: {  	s3 =	simm.s32 @!p0 $0x1082;
	s9 =	sld [smem:$0x3FB5]  }
0x2f: {  	lr =	sadd.s32 s0, s3;
	s0 =	sld [smem:$0x3FAC]  }
0x30: {  	s3 =	sld [smem:$0x3FAF]  }
0x31: {  	[smem:$0x3FB8] =	sst s10  }
0x32: {  	s10 =	sld [smem:$0x3FB6];
	_ =	sdelay $0x3  }
0x33: {  	p0 =	seq.s32 s10, $0x1;
	s10 =	sld [smem:$0x3FB8];
	_ =	sdelay $0x3  }
0x34: {  	[smem:$0x3FB8] =	sst s10  }
0x35: {  	s10 =	sld [smem:$0x3FB7];
	_ =	sdelay $0x3  }
0x36: {  	p1 =	seq.s32 s10, $0x1;
	s10 =	sld [smem:$0x3FB8];
	_ =	sdelay $0x3  }
0x37: {  	[smem:$0x3FB8] =	sst s10  }
0x38: {  	s10 =	sld [smem:$0x3FB9]  }
0x39: {  	_ = 	snop;
	(pc) =	sbr.ind lr, $3  }
0x3a: {  	_ = 	snop  }
0x3b: {  	_ = 	snop  }
0x3c: {  	p2 =	seq.s32 s10, $0x1;
	s10 =	sld [smem:$0x3FB8]  }
0x3d: {  	_ =	shalt  }
0x3e: {  	_ =	shalt  }
0x3f: {  	_ =	shalt  }
0x40: {  	_ =	shalt  }
0x41: {  	_ =	shalt  }
0x42: {  	_ =	shalt  }
0x43: {  	_ =	shalt  }
0x44: {  	_ =	shalt  }
0x45: {  	_ =	shalt  }
0x46: {  	_ =	shalt  }
0x47: {  	_ =	shalt  }
0x48: {  	_ =	shalt  }
0x49: {  	_ =	shalt  }
0x4a: {  	_ =	shalt  }
0x4b: {  	_ =	shalt  }
0x4c: {  	_ =	shalt  }
0x4d: {  	_ =	shalt  }
0x4e: {  	_ =	shalt  }
0x4f: {  	_ =	shalt  }
0x50: {  	_ =	shalt  }
0x51: {  	_ =	shalt  }
0x52: {  	_ =	shalt  }
0x53: {  	_ =	shalt  }
0x54: {  	_ =	shalt  }
0x55: {  	_ =	shalt  }
0x56: {  	_ =	shalt  }
0x57: {  	_ =	shalt  }
0x58: {  	_ =	shalt  }
0x59: {  	_ =	shalt  }
0x5a: {  	_ =	shalt  }
0x5b: {  	_ =	shalt  }
0x5c: {  	_ =	shalt  }
0x5d: {  	_ =	shalt  }
0x5e: {  	_ =	shalt  }
0x5f: {  	_ =	shalt  }
0x60: {  	_ =	shalt  }
0x61: {  	_ =	shalt  }
0x62: {  	_ =	shalt  }
0x63: {  	_ =	shalt  }
0x64: {  	_ =	shalt  }
0x65: {  	_ =	shalt  }
0x66: {  	_ =	shalt  }
0x67: {  	_ =	shalt  }
0x68: {  	_ =	shalt  }
0x69: {  	_ =	shalt  }
0x6a: {  	_ =	shalt  }
0x6b: {  	_ =	shalt  }
0x6c: {  	_ =	shalt  }
0x6d: {  	_ =	shalt  }
0x6e: {  	_ =	shalt  }
0x6f: {  	_ =	shalt  }
0x70: {  	_ =	shalt  }
0x71: {  	_ =	shalt  }
0x72: {  	_ =	shalt  }
0x73: {  	_ =	shalt  }
0x74: {  	_ =	shalt  }
0x75: {  	_ =	shalt  }
0x76: {  	_ =	shalt  }
0x77: {  	_ =	shalt  }
0x78: {  	_ =	shalt  }
0x79: {  	_ =	shalt  }
0x7a: {  	_ =	shalt  }
0x7b: {  	_ =	shalt  }
0x7c: {  	_ =	shalt  }
0x7d: {  	_ =	shalt  }
0x7e: {  	_ =	shalt  }
0x7f: {  	_ =	shalt  }
0x80: {  	_ =	shalt  }
0x81: {  	_ =	shalt  }
0x82: {  	_ =	shalt  }
0x83: {  	_ =	shalt  }
0x84: {  	_ =	shalt  }
0x85: {  	_ =	shalt  }
0x86: {  	_ =	shalt  }
0x87: {  	_ =	shalt  }
.Lfunc_end0:
.L_simem_size_0:
called_computation.1_lowered:
.L_overlay_start_0:
0x88: {  	s2 =	sld [smem:$0x3FD9]  }
0x89: {  	s3 =	sld [smem:$0x3FFE];
	_ =	sdelay $0x1  }
0x8a: {  	s1 =	srdreg.scid  }
0x8b: {  	s0 =	sand.u32 $0x1, s1  }
0x8c: {  	s16 =	sshll.u32 s0, $0xA;
	s2 =	sadd.s32 s3, s2  }
0x8d: {  	s2 =	sadd.s32 s2, s16  }
0x8e: {  	[smem:$0x3FC4] =	sst s2  }
0x8f: {  	_ = 	snop  }
0x90: {  	(tm) =	ssettm $0x1  }
0x91: {  	s17 =	sld [smem:$0x3FFB];
	_ =	sdelay $0x3  }
0x92: {  	_ =	strace s17  }
0x93: {  	s2 =	sld [smem:$0x3FFC];
	_ =	sdelay $0x3  }
0x94: {  	_ =	strace s2  }
0x95: {  	s2 =	sld [smem:$0x3FFD];
	_ =	sdelay $0x3  }
0x96: {  	_ =	strace s2  }
0x97: {  	_ =	strace $0x8FFFFFFF  }
0x98: {  	s18 =	sld [smem:$0x3FDB];
	_ =	sdelay $0x1  }
0x99: {  	s19 =	simm.s32 $_scs_section_size  }
0x9a: {  	s4 =	simm.s32 $_size__tile_overlayer_lowered;
	s5 =	simm.s32 $_tile_overlayer_lowered  }
0x9b: {  	s22 =	simm.s32 $0x1BFF;
	s21 =	sshll.u32 s5, $0x1;
	s2 =	sadd.s32 s19, s18  }
0x9c: {  	s6 =	simm.s32 $0x0;
	s20 =	sshll.u32 s4, $0x1;
	s4 =	sadd.s32 s21, s2  }
0x9d: {  	[timem:s6], [sflag:s22] =	dma.local [hbm:s4], s20  }
0x9e: {  	_ =	swait.ge [sflag:s22], s20  }
0x9f: {  	s3 =	ssub.s32 $0x0, s20;
	[sflag:s22] =	ssyncset.done $0x0  }
0xa0: {  	[sflag:s22] =	ssyncadd.s32 s3;
	_ =	sdelay $0x1  }
0xa1: {  	s23 =	simm.s32 $0x1B8B  }
0xa2: {  	_ =	swait.ge [sflag:s23], $0x1  }
0xa3: {  	[sflag:s23] =	ssyncset.done $0x0  }
0xa4: {  	s25 =	simm.s32 $0x1B8E;
	s24 =	sld [smem:$0x3FFE];
	[sflag:s23] =	ssyncadd.s32 $0xFFFFFFFF  }
0xa5: {  	s26 =	simm.s32 $execute0_lowered;
	[smem:$0x3FD2] =	sst s25  }
0xa6: {  	s4 =	sshll.u32 s26, $0x1;
	_ =	strace $0x80000049;
	[dreg:$0x1] =	wrdreg $0xFFFFFFFF  }
0xa7: {  	s28 =	simm.s32 $_size_execute0_lowered;
	s2 =	sadd.s32 s2, s4;
	[dreg:$0x0] =	wrdreg $0x0  }
0xa8: {  	s4 =	sshll.u32 s28, $0x1;
	[dreg:$0x2] =	wrdreg s2  }
0xa9: {  	[dreg:$0x3] =	wrdreg s4  }
0xaa: {  	[dreg:$0x4] =	wrdreg $0xC0  }
0xab: {  	_ =	task [dreg:s6], $0x5FFFF  }
0xac: {  	[dreg:$0x1] =	wrdreg $0xFFFFFFFF  }
0xad: {  	[dreg:$0x0] =	wrdreg $0x60  }
0xae: {  	[dreg:$0x2] =	wrdreg s24  }
0xaf: {  	[dreg:$0x3] =	wrdreg $0x9  }
0xb0: {  	_ =	task.clear_ibuf [dreg:s6], $0x4FFFF;
	_ =	strace $0x90000049  }
0xb1: {  	s29 =	simm.s32 $0x9;
	_ =	strace $0x8000004B  }
0xb2: {  	_ =	swait.ge [sflag:s29], $0x1  }
0xb3: {  	[sflag:s29] =	ssyncadd.s32 $0xFFFFFFFF  }
0xb4: {  	_ =	strace $0x9000004B  }
0xb5: {  	_ =	sfence  }
0xb6: {  	s30 =	sld [smem:$0x0];
	_ =	sdelay $0x2  }
0xb7: {  	s31 =	sshll.u32 s1, $0xD;
	s1 =	sshrl.u32 s1, $0x2  }
0xb8: {  	s3 =	sand.u32 $0x4000, s31;
	s1 =	sadd.s32 s1, s30  }
0xb9: {  	s0 =	sor.u32 s3, s0;
	s1 =	sshll.u32 s1, $0x11  }
0xba: {  	s0 =	sor.u32 s1, s0  }
0xbb: {  	s0 =	sadd.s32 $0x8F2B, s0  }
0xbc: {  	[sflag:s0] =	ssyncadd.remote.s32 $0x1  }
0xbd: {  	_ =	sfence.sel $0xFFFF  }
0xbe: {  	[dreg:$0x0] =	wrdreg $0xFFFFFFFF;
	(pc) =	sbr.abs _section_cstart, $3  }
0xbf: {  	[dreg:$0x1] =	wrdreg $0xFFFFFFFF  }
0xc0: {  	_ =	task.clear_ibuf [dreg:s6], $0x2FFFF;
	_ =	strace $0x9FFFFFFF  }
0xc1: {  	(tm) =	ssettm $0x7FFFFFFF  }
tec
execute0_lowered:
.L_overlay_start_1:
0x0: {  	(tag) =	ssettag $0x1  }
0x1: {  	s3 =	rddreg [dreg:$0x0]  }
0x2: {  	s0 =	rddreg [dreg:$0x1]  }
0x3: {  	s4 =	srdreg.scid;
	s1 =	stileid.u32;
	s2 =	simm.s32 $0x0  }
0x4: {  	s11 =	simm.s32 $0x4;
	s12 =	simm.s32 $0x100;
	s13 =	simm.s32 $0x4100  }
0x5: {  	s14 =	simm.s32 $0x1;
	s15 =	simm.s32 $0x2;
	s16 =	simm.s32 $0x8100  }
0x6: {  	s17 =	simm.s32 $0x3;
	s18 =	simm.s32 $0xC100;
	s19 =	simm.s32 $0x0  }
0x7: {  	s4 =	sand.u32 $0x1, s4;
	s5 =	sshll.u32 s1, $0x1;
	[smem:$0x7FF] =	sst s2  }
0x8: {  	s5 =	sor.u32 s4, s5;
	_ =	strace $0x8000004A;
	s4 =	ssub.s32 $0x2, s4  }
0x9: {  	s6 =	sadd.s32 s5, s3;
	s7 =	sshll.u32 s5, $0xB;
	s5 =	sshll.u32 s5, $0x4  }
0xa: {  	s31 =	sshrl.u32 s4, $0x1;
	s8 =	sadd.s32 s7, s3;
	s9 =	sadd.s32 s5, s3  }
0xb: {  	s10 =	ssub.s32 s4, s31;
	s3 =	sadd.s32 $0x201E00, s6;
	s4 =	sadd.s32 $0x202000, s8  }
0xc: {  	vm0 =	vcmask $0x300;
	v0 =	vimm.f32 $0.0e+00;
	s5 =	sadd.s32 $0x1E00, s8;
	s6 =	sadd.s32 $0x81E00, s8;
	s7 =	sadd.s32 $0x101E00, s8  }
0xd: {  	v1 =	vsel vm0, $0x3F800000, v0;
	v2 =	vsel vm0, $0x4019999A, v0;
	s8 =	sadd.s32 $0x181E00, s8;
	s9 =	sadd.s32 $0x212000, s9;
	s10 =	smax.u32 s10, $0x1  }
.LBB2_1:
0xe: {  	[tilespmem:$0x0] =	vst v0  }
0xf: {  	[tilespmem:$0x10] =	vst v0  }
0x10: {  	[tilespmem:$0x90] =	vst v0  }
0x11: {  	[tilespmem:s2], [sflag:$0x4] =	stream.linear.gather [hbm4b:s3+s2], $0x8, $0x38;
	[tilespmem:$0xC180] =	vst v63  }
0x12: {  	_ =	swait.ge [sflag:s11], $0x8  }
0x13: {  	[sflag:s11] =	ssyncset.done $0x0  }
0x14: {  	[sflag:s11] =	ssyncadd.s32 $0xFFFFFFF8  }
0x15: {  	[tilespmem:s12], [sflag:$0x1] =	stream.linear.gather [hbm4b:s4+s2], $0x4000, $0x38;
	[tilespmem:$0xC180] =	vst v63  }
0x16: {  	_ = 	snop  }
0x17: {  	[tilespmem:s13], [sflag:$0x2] =	stream.linear.gather [hbm4b:s5+s2], $0x4000, $0x38;
	[tilespmem:$0xC180] =	vst v63  }
0x18: {  	_ =	swait.ge [sflag:s14], $0x4000  }
0x19: {  	[sflag:s14] =	ssyncset.done $0x0  }
0x1a: {  	[sflag:s14] =	ssyncadd.s32 $0xFFFFC000  }
0x1b: {  	_ =	swait.ge [sflag:s15], $0x4000  }
0x1c: {  	s20 =	simm.s32 $0x140;
	[sflag:s15] =	ssyncset.done $0x0  }
0x1d: {  	s21 =	simm.s32 $0x4170;
	s22 =	simm.s32 $0x0;
	[sflag:s15] =	ssyncadd.s32 $0xFFFFC000  }
0x1e: {  	v3 =	vimm.f32 $0.0e+00;
	[tilespmem:s16], [sflag:$0x3] =	stream.linear.gather [hbm4b:s6+s2], $0x4000, $0x38;
	[tilespmem:$0xC180] =	vst v63  }
.LBB2_2:
0x1f: {  	v5 =	vmov s21  }
0x20: {  	v6 =	vmov s20;
	_ =	sdelay $0x2  }
0x21: {  	s23 =	simm.s32 $0x0  }
0x22: {  	v16 =	vld.idx.msk [tilespmem:v5+s23+$0xFFFFFFD0 ss:$0x1], $0xffff  }
0x23: {  	v8 =	vld.idx.msk [tilespmem:v6+s23+$0x0 ss:$0x1], $0xffff  }
0x24: {  	v9 =	vld.idx.msk [tilespmem:v5+s23+$0xFFFFFFE0 ss:$0x1], $0xffff  }
0x25: {  	v10 =	vld.idx.msk [tilespmem:v6+s23+$0x10 ss:$0x1], $0xffff  }
0x26: {  	v4 =	vld.idx.msk [tilespmem:v5+s23+$0xFFFFFFF0 ss:$0x1], $0xffff  }
0x27: {  	v7 =	vld.idx.msk [tilespmem:v6+s23+$0x20 ss:$0x1], $0xffff  }
0x28: {  	v15 =	vld.idx.msk [tilespmem:v5+s23+$0xFFFFFF90 ss:$0x1], $0xffff  }
0x29: {  	v17 =	vld.idx.msk [tilespmem:v6+s23+$0xFFFFFFC0 ss:$0x1], $0xffff  }
0x2a: {  	v18 =	vld.idx.msk [tilespmem:v5+s23+$0xFFFFFFA0 ss:$0x1], $0xffff  }
0x2b: {  	v20 =	vld.idx.msk [tilespmem:v6+s23+$0xFFFFFFD0 ss:$0x1], $0xffff  }
0x2c: {  	v19 =	vld.idx.msk [tilespmem:v5+s23+$0xFFFFFFB0 ss:$0x1], $0xffff  }
0x2d: {  	v11 =	vimm.f32 $0.0e+00;
	v21 =	vld.idx.msk [tilespmem:v6+s23+$0xFFFFFFE0 ss:$0x1], $0xffff  }
0x2e: {  	s24 =	simm.s32 $0x200;
	v14 =	vimm.f32 $0.0e+00;
	v12 =	vimm.f32 $0.0e+00;
	v13 =	vimm.f32 $0.0e+00;
	v22 =	vld.idx.msk [tilespmem:v5+s23+$0xFFFFFFC0 ss:$0x1], $0xffff  }
.LBB2_3:
0x2f: {  	p0 =	sne.s32 s24, $0x1E00;
	v23 =	vld.idx.msk [tilespmem:v6+s23+$0xFFFFFFF0 ss:$0x1], $0xffff  }
0x30: {  	v24 =	vld.idx.msk [tilespmem:v5+s23+$0x0 ss:$0x1], $0xffff  }
0x31: {  	v25 =	vld.idx.msk [tilespmem:v6+s23+$0x30 ss:$0x1], $0xffff;
	s23 =	sshra.s32 s24, $0x2  }
0x32: {  	v26 =	vld.idx.msk [tilespmem:v5+s23+$0xFFFFFFD0 ss:$0x1], $0xffff  }
0x33: {  	v16 =	vmul.f32 v8, v16;
	v27 =	vmul.f32 v10, v9;
	v8 =	vld.idx.msk [tilespmem:v6+s23+$0x0 ss:$0x1], $0xffff  }
0x34: {  	v15 =	vmul.f32 v17, v15;
	v17 =	vmul.f32 v20, v18;
	v9 =	vld.idx.msk [tilespmem:v5+s23+$0xFFFFFFE0 ss:$0x1], $0xffff  }
0x35: {  	v18 =	vmul.f32 v21, v19;
	v19 =	vmul.f32 v23, v22;
	v10 =	vld.idx.msk [tilespmem:v6+s23+$0x10 ss:$0x1], $0xffff  }
0x36: {  	v20 =	vmul.f32 v7, v4;
	v11 =	vadd.f32 v15, v11;
	v14 =	vadd.f32 v17, v14;
	v4 =	vld.idx.msk [tilespmem:v5+s23+$0xFFFFFFF0 ss:$0x1], $0xffff  }
0x37: {  	v12 =	vadd.f32 v18, v12;
	v13 =	vadd.f32 v19, v13;
	v18 =	vmul.f32 v25, v24;
	v7 =	vld.idx.msk [tilespmem:v6+s23+$0x20 ss:$0x1], $0xffff  }
0x38: {  	v11 =	vadd.f32 v16, v11;
	v14 =	vadd.f32 v27, v14;
	v16 =	vmov v26;
	v15 =	vld.idx.msk [tilespmem:v5+s23+$0xFFFFFF90 ss:$0x1], $0xffff  }
0x39: {  	v12 =	vadd.f32 v20, v12;
	v13 =	vadd.f32 v18, v13;
	v17 =	vld.idx.msk [tilespmem:v6+s23+$0xFFFFFFC0 ss:$0x1], $0xffff  }
.Ltmp0:
0x3a: {  	v18 =	vld.idx.msk [tilespmem:v5+s23+$0xFFFFFFA0 ss:$0x1], $0xffff;
	(pc) =	sbr.rel @p0 .LBB2_3-.Ltmp0, $4  }
0x3b: {  	v20 =	vld.idx.msk [tilespmem:v6+s23+$0xFFFFFFD0 ss:$0x1], $0xffff  }
0x3c: {  	v19 =	vld.idx.msk [tilespmem:v5+s23+$0xFFFFFFB0 ss:$0x1], $0xffff  }
0x3d: {  	v21 =	vld.idx.msk [tilespmem:v6+s23+$0xFFFFFFE0 ss:$0x1], $0xffff  }
0x3e: {  	s24 =	sadd.s32 $0x200, s24;
	v22 =	vld.idx.msk [tilespmem:v5+s23+$0xFFFFFFC0 ss:$0x1], $0xffff  }
0x3f: {  	_ =	sdelay $0x3  }
0x40: {  	v23 =	vld.idx.msk [tilespmem:v6+s23+$0xFFFFFFF0 ss:$0x1], $0xffff  }
0x41: {  	v5 =	vld.idx.msk [tilespmem:v5+s23+$0x0 ss:$0x1], $0xffff  }
0x42: {  	v53 =	vld.idx.msk [tilespmem:v6+s23+$0x30 ss:$0x1], $0xffff  }
0x43: {  	v8 =	vmul.f32 v8, v16;
	v9 =	vmul.f32 v10, v9  }
0x44: {  	v54 =	vmul.f32 v17, v15;
	v55 =	vmul.f32 v20, v18  }
0x45: {  	v56 =	vmul.f32 v21, v19;
	v57 =	vmul.f32 v23, v22  }
0x46: {  	v4 =	vmul.f32 v7, v4;
	v10 =	vadd.f32 v54, v11;
	v58 =	vadd.f32 v55, v14  }
0x47: {  	v59 =	vadd.f32 v56, v12;
	v5 =	vmul.f32 v53, v5;
	v60 =	vadd.f32 v57, v13  }
0x48: {  	v61 =	vadd.f32 v8, v10;
	v62 =	vadd.f32 v9, v58  }
0x49: {  	v4 =	vadd.f32 v4, v59;
	v5 =	vadd.f32 v5, v60;
	_ =	sdelay $0x1  }
0x4a: {  	v6 =	vadd.f32 v62, v61;
	v4 =	vadd.f32 v5, v4;
	_ =	sdelay $0x1  }
0x4b: {  	v4 =	vadd.f32 v4, v6;
	_ =	sdelay $0x1  }
0x4c: {  	[tilespmem:$0x80] =	vst v4  }
0x4d: {  	v5 =	vld [tilespmem:$0x88];
	_ =	sdelay $0x4  }
0x4e: {  	v4 =	vadd.f32 v5, v4;
	_ =	sdelay $0x1  }
0x4f: {  	[tilespmem:$0x80] =	vst v4  }
0x50: {  	v5 =	vld [tilespmem:$0x84];
	_ =	sdelay $0x4  }
0x51: {  	v4 =	vadd.f32 v5, v4;
	_ =	sdelay $0x1  }
0x52: {  	[tilespmem:$0x80] =	vst v4  }
0x53: {  	v5 =	vld [tilespmem:$0x82];
	_ =	sdelay $0x4  }
0x54: {  	v4 =	vadd.f32 v5, v4;
	_ =	sdelay $0x1  }
0x55: {  	[tilespmem:$0x80] =	vst v4  }
0x56: {  	v5 =	vld [tilespmem:$0x81];
	_ =	sdelay $0x4  }
0x57: {  	v4 =	vadd.f32 v5, v4;
	v5 =	vld [tilespmem:s22+$0x0];
	_ =	sdelay $0x1  }
0x58: {  	v4 =	vadd.f32 $6.000000240e-01, v4;
	_ =	sdelay $0x1  }
0x59: {  	v4 =	vmax.f32 v4, $0.0e+00  }
0x5a: {  	s22 =	sadd.s32 $0x1, s22;
	v4 =	vmul.f32 v1, v4;
	v63 =	vsub.f32 $1.000000000e+00, v5  }
0x5b: {  	p0 =	sne.s32 s22, $0x8  }
.Ltmp1:
0x5c: {  	v4 =	vmul.f32 v4, v5;
	v5 =	vmul.f32 v2, v63;
	(pc) =	sbr.rel @p0 .LBB2_2-.Ltmp1, $3  }
0x5d: {  	_ = 	snop  }
0x5e: {  	v4 =	vadd.f32 v4, v5;
	_ =	sdelay $0x1  }
0x5f: {  	s20 =	sadd.s32 $0x800, s20;
	s21 =	sadd.s32 $0x800, s21;
	v3 =	vadd.f32 v4, v3  }
0x60: {  	_ =	swait.ge [sflag:s17], $0x4000  }
0x61: {  	s20 =	simm.s32 $0x0;
	[sflag:s17] =	ssyncset.done $0x0  }
0x62: {  	s21 =	simm.s32 $0x140;
	s22 =	simm.s32 $0x8170;
	[sflag:s17] =	ssyncadd.s32 $0xFFFFC000  }
0x63: {  	[tilespmem:s13], [sflag:$0x2] =	stream.linear.gather [hbm4b:s7+s20], $0x4000, $0x38;
	[tilespmem:$0xC180] =	vst v63  }
.LBB2_6:
0x64: {  	v5 =	vmov s22  }
0x65: {  	v6 =	vmov s21;
	_ =	sdelay $0x2  }
0x66: {  	s23 =	simm.s32 $0x0  }
0x67: {  	v16 =	vld.idx.msk [tilespmem:v5+s23+$0xFFFFFFD0 ss:$0x1], $0xffff  }
0x68: {  	v8 =	vld.idx.msk [tilespmem:v6+s23+$0x0 ss:$0x1], $0xffff  }
0x69: {  	v9 =	vld.idx.msk [tilespmem:v5+s23+$0xFFFFFFE0 ss:$0x1], $0xffff  }
0x6a: {  	v10 =	vld.idx.msk [tilespmem:v6+s23+$0x10 ss:$0x1], $0xffff  }
0x6b: {  	v4 =	vld.idx.msk [tilespmem:v5+s23+$0xFFFFFFF0 ss:$0x1], $0xffff  }
0x6c: {  	v7 =	vld.idx.msk [tilespmem:v6+s23+$0x20 ss:$0x1], $0xffff  }
0x6d: {  	v15 =	vld.idx.msk [tilespmem:v5+s23+$0xFFFFFF90 ss:$0x1], $0xffff  }
0x6e: {  	v17 =	vld.idx.msk [tilespmem:v6+s23+$0xFFFFFFC0 ss:$0x1], $0xffff  }
0x6f: {  	v18 =	vld.idx.msk [tilespmem:v5+s23+$0xFFFFFFA0 ss:$0x1], $0xffff  }
0x70: {  	v20 =	vld.idx.msk [tilespmem:v6+s23+$0xFFFFFFD0 ss:$0x1], $0xffff  }
0x71: {  	v19 =	vld.idx.msk [tilespmem:v5+s23+$0xFFFFFFB0 ss:$0x1], $0xffff  }
0x72: {  	v11 =	vimm.f32 $0.0e+00;
	v21 =	vld.idx.msk [tilespmem:v6+s23+$0xFFFFFFE0 ss:$0x1], $0xffff  }
0x73: {  	s24 =	simm.s32 $0x200;
	v14 =	vimm.f32 $0.0e+00;
	v12 =	vimm.f32 $0.0e+00;
	v13 =	vimm.f32 $0.0e+00;
	v22 =	vld.idx.msk [tilespmem:v5+s23+$0xFFFFFFC0 ss:$0x1], $0xffff  }
.LBB2_7:
0x74: {  	p0 =	sne.s32 s24, $0x1E00;
	v23 =	vld.idx.msk [tilespmem:v6+s23+$0xFFFFFFF0 ss:$0x1], $0xffff  }
0x75: {  	v24 =	vld.idx.msk [tilespmem:v5+s23+$0x0 ss:$0x1], $0xffff  }
0x76: {  	v25 =	vld.idx.msk [tilespmem:v6+s23+$0x30 ss:$0x1], $0xffff;
	s23 =	sshra.s32 s24, $0x2  }
0x77: {  	v26 =	vld.idx.msk [tilespmem:v5+s23+$0xFFFFFFD0 ss:$0x1], $0xffff  }
0x78: {  	v16 =	vmul.f32 v8, v16;
	v27 =	vmul.f32 v10, v9;
	v8 =	vld.idx.msk [tilespmem:v6+s23+$0x0 ss:$0x1], $0xffff  }
0x79: {  	v15 =	vmul.f32 v17, v15;
	v17 =	vmul.f32 v20, v18;
	v9 =	vld.idx.msk [tilespmem:v5+s23+$0xFFFFFFE0 ss:$0x1], $0xffff  }
0x7a: {  	v18 =	vmul.f32 v21, v19;
	v19 =	vmul.f32 v23, v22;
	v10 =	vld.idx.msk [tilespmem:v6+s23+$0x10 ss:$0x1], $0xffff  }
0x7b: {  	v20 =	vmul.f32 v7, v4;
	v11 =	vadd.f32 v15, v11;
	v14 =	vadd.f32 v17, v14;
	v4 =	vld.idx.msk [tilespmem:v5+s23+$0xFFFFFFF0 ss:$0x1], $0xffff  }
0x7c: {  	v12 =	vadd.f32 v18, v12;
	v13 =	vadd.f32 v19, v13;
	v18 =	vmul.f32 v25, v24;
	v7 =	vld.idx.msk [tilespmem:v6+s23+$0x20 ss:$0x1], $0xffff  }
0x7d: {  	v11 =	vadd.f32 v16, v11;
	v14 =	vadd.f32 v27, v14;
	v16 =	vmov v26;
	v15 =	vld.idx.msk [tilespmem:v5+s23+$0xFFFFFF90 ss:$0x1], $0xffff  }
0x7e: {  	v12 =	vadd.f32 v20, v12;
	v13 =	vadd.f32 v18, v13;
	v17 =	vld.idx.msk [tilespmem:v6+s23+$0xFFFFFFC0 ss:$0x1], $0xffff  }
.Ltmp2:
0x7f: {  	v18 =	vld.idx.msk [tilespmem:v5+s23+$0xFFFFFFA0 ss:$0x1], $0xffff;
	(pc) =	sbr.rel @p0 .LBB2_7-.Ltmp2, $4  }
0x80: {  	v20 =	vld.idx.msk [tilespmem:v6+s23+$0xFFFFFFD0 ss:$0x1], $0xffff  }
0x81: {  	v19 =	vld.idx.msk [tilespmem:v5+s23+$0xFFFFFFB0 ss:$0x1], $0xffff  }
0x82: {  	v21 =	vld.idx.msk [tilespmem:v6+s23+$0xFFFFFFE0 ss:$0x1], $0xffff  }
0x83: {  	s24 =	sadd.s32 $0x200, s24;
	v22 =	vld.idx.msk [tilespmem:v5+s23+$0xFFFFFFC0 ss:$0x1], $0xffff  }
0x84: {  	_ =	sdelay $0x3  }
0x85: {  	v23 =	vld.idx.msk [tilespmem:v6+s23+$0xFFFFFFF0 ss:$0x1], $0xffff  }
0x86: {  	v5 =	vld.idx.msk [tilespmem:v5+s23+$0x0 ss:$0x1], $0xffff  }
0x87: {  	v54 =	vld.idx.msk [tilespmem:v6+s23+$0x30 ss:$0x1], $0xffff  }
0x88: {  	v8 =	vmul.f32 v8, v16;
	v9 =	vmul.f32 v10, v9  }
0x89: {  	v55 =	vmul.f32 v17, v15;
	v56 =	vmul.f32 v20, v18  }
0x8a: {  	v57 =	vmul.f32 v21, v19;
	v58 =	vmul.f32 v23, v22  }
0x8b: {  	v4 =	vmul.f32 v7, v4;
	v10 =	vadd.f32 v55, v11;
	v59 =	vadd.f32 v56, v14  }
0x8c: {  	v60 =	vadd.f32 v57, v12;
	v5 =	vmul.f32 v54, v5;
	v61 =	vadd.f32 v58, v13  }
0x8d: {  	v62 =	vadd.f32 v8, v10;
	v63 =	vadd.f32 v9, v59  }
0x8e: {  	v4 =	vadd.f32 v4, v60;
	v5 =	vadd.f32 v5, v61;
	_ =	sdelay $0x1  }
0x8f: {  	v6 =	vadd.f32 v63, v62;
	v4 =	vadd.f32 v5, v4;
	_ =	sdelay $0x1  }
0x90: {  	v4 =	vadd.f32 v4, v6;
	_ =	sdelay $0x1  }
0x91: {  	[tilespmem:$0x80] =	vst v4  }
0x92: {  	v5 =	vld [tilespmem:$0x88];
	_ =	sdelay $0x4  }
0x93: {  	v4 =	vadd.f32 v5, v4;
	_ =	sdelay $0x1  }
0x94: {  	[tilespmem:$0x80] =	vst v4  }
0x95: {  	v5 =	vld [tilespmem:$0x84];
	_ =	sdelay $0x4  }
0x96: {  	v4 =	vadd.f32 v5, v4;
	_ =	sdelay $0x1  }
0x97: {  	[tilespmem:$0x80] =	vst v4  }
0x98: {  	v5 =	vld [tilespmem:$0x82];
	_ =	sdelay $0x4  }
0x99: {  	v4 =	vadd.f32 v5, v4;
	_ =	sdelay $0x1  }
0x9a: {  	[tilespmem:$0x80] =	vst v4  }
0x9b: {  	v5 =	vld [tilespmem:$0x81];
	_ =	sdelay $0x4  }
0x9c: {  	v4 =	vadd.f32 v5, v4;
	_ =	sdelay $0x1  }
0x9d: {  	v5 =	vld [tilespmem:s20+$0x0];
	v4 =	vadd.f32 $6.000000240e-01, v4  }
0x9e: {  	s20 =	sadd.s32 $0x1, s20  }
0x9f: {  	p0 =	sne.s32 s20, $0x8;
	v4 =	vmax.f32 v4, $0.0e+00  }
.Ltmp3:
0xa0: {  	v4 =	vmul.f32 v1, v4;
	(pc) =	sbr.rel @p0 .LBB2_6-.Ltmp3, $3  }
0xa1: {  	_ = 	snop  }
0xa2: {  	v4 =	vmul.f32 v4, v5;
	_ =	sdelay $0x1  }
0xa3: {  	s21 =	sadd.s32 $0x800, s21;
	s22 =	sadd.s32 $0x800, s22;
	v3 =	vadd.f32 v4, v3  }
0xa4: {  	_ =	swait.ge [sflag:s15], $0x4000  }
0xa5: {  	s20 =	simm.s32 $0x0;
	[sflag:s15] =	ssyncset.done $0x0  }
0xa6: {  	s21 =	simm.s32 $0x140;
	s22 =	simm.s32 $0x4170;
	[sflag:s15] =	ssyncadd.s32 $0xFFFFC000  }
0xa7: {  	[tilespmem:s16], [sflag:$0x3] =	stream.linear.gather [hbm4b:s8+s20], $0x4000, $0x38;
	[tilespmem:$0xC180] =	vst v63  }
.LBB2_10:
0xa8: {  	v5 =	vmov s22  }
0xa9: {  	v6 =	vmov s21;
	_ =	sdelay $0x2  }
0xaa: {  	s23 =	simm.s32 $0x0  }
0xab: {  	v16 =	vld.idx.msk [tilespmem:v5+s23+$0xFFFFFFD0 ss:$0x1], $0xffff  }
0xac: {  	v8 =	vld.idx.msk [tilespmem:v6+s23+$0x0 ss:$0x1], $0xffff  }
0xad: {  	v9 =	vld.idx.msk [tilespmem:v5+s23+$0xFFFFFFE0 ss:$0x1], $0xffff  }
0xae: {  	v10 =	vld.idx.msk [tilespmem:v6+s23+$0x10 ss:$0x1], $0xffff  }
0xaf: {  	v4 =	vld.idx.msk [tilespmem:v5+s23+$0xFFFFFFF0 ss:$0x1], $0xffff  }
0xb0: {  	v7 =	vld.idx.msk [tilespmem:v6+s23+$0x20 ss:$0x1], $0xffff  }
0xb1: {  	v15 =	vld.idx.msk [tilespmem:v5+s23+$0xFFFFFF90 ss:$0x1], $0xffff  }
0xb2: {  	v17 =	vld.idx.msk [tilespmem:v6+s23+$0xFFFFFFC0 ss:$0x1], $0xffff  }
0xb3: {  	v18 =	vld.idx.msk [tilespmem:v5+s23+$0xFFFFFFA0 ss:$0x1], $0xffff  }
0xb4: {  	v20 =	vld.idx.msk [tilespmem:v6+s23+$0xFFFFFFD0 ss:$0x1], $0xffff  }
0xb5: {  	v19 =	vld.idx.msk [tilespmem:v5+s23+$0xFFFFFFB0 ss:$0x1], $0xffff  }
0xb6: {  	v11 =	vimm.f32 $0.0e+00;
	v21 =	vld.idx.msk [tilespmem:v6+s23+$0xFFFFFFE0 ss:$0x1], $0xffff  }
0xb7: {  	s24 =	simm.s32 $0x200;
	v14 =	vimm.f32 $0.0e+00;
	v12 =	vimm.f32 $0.0e+00;
	v13 =	vimm.f32 $0.0e+00;
	v22 =	vld.idx.msk [tilespmem:v5+s23+$0xFFFFFFC0 ss:$0x1], $0xffff  }
.LBB2_11:
0xb8: {  	p0 =	sne.s32 s24, $0x1E00;
	v23 =	vld.idx.msk [tilespmem:v6+s23+$0xFFFFFFF0 ss:$0x1], $0xffff  }
0xb9: {  	v24 =	vld.idx.msk [tilespmem:v5+s23+$0x0 ss:$0x1], $0xffff  }
0xba: {  	v25 =	vld.idx.msk [tilespmem:v6+s23+$0x30 ss:$0x1], $0xffff;
	s23 =	sshra.s32 s24, $0x2  }
0xbb: {  	v26 =	vld.idx.msk [tilespmem:v5+s23+$0xFFFFFFD0 ss:$0x1], $0xffff  }
0xbc: {  	v16 =	vmul.f32 v8, v16;
	v27 =	vmul.f32 v10, v9;
	v8 =	vld.idx.msk [tilespmem:v6+s23+$0x0 ss:$0x1], $0xffff  }
0xbd: {  	v15 =	vmul.f32 v17, v15;
	v17 =	vmul.f32 v20, v18;
	v9 =	vld.idx.msk [tilespmem:v5+s23+$0xFFFFFFE0 ss:$0x1], $0xffff  }
0xbe: {  	v18 =	vmul.f32 v21, v19;
	v19 =	vmul.f32 v23, v22;
	v10 =	vld.idx.msk [tilespmem:v6+s23+$0x10 ss:$0x1], $0xffff  }
0xbf: {  	v20 =	vmul.f32 v7, v4;
	v11 =	vadd.f32 v15, v11;
	v14 =	vadd.f32 v17, v14;
	v4 =	vld.idx.msk [tilespmem:v5+s23+$0xFFFFFFF0 ss:$0x1], $0xffff  }
0xc0: {  	v12 =	vadd.f32 v18, v12;
	v13 =	vadd.f32 v19, v13;
	v18 =	vmul.f32 v25, v24;
	v7 =	vld.idx.msk [tilespmem:v6+s23+$0x20 ss:$0x1], $0xffff  }
0xc1: {  	v11 =	vadd.f32 v16, v11;
	v14 =	vadd.f32 v27, v14;
	v16 =	vmov v26;
	v15 =	vld.idx.msk [tilespmem:v5+s23+$0xFFFFFF90 ss:$0x1], $0xffff  }
0xc2: {  	v12 =	vadd.f32 v20, v12;
	v13 =	vadd.f32 v18, v13;
	v17 =	vld.idx.msk [tilespmem:v6+s23+$0xFFFFFFC0 ss:$0x1], $0xffff  }
.Ltmp4:
0xc3: {  	v18 =	vld.idx.msk [tilespmem:v5+s23+$0xFFFFFFA0 ss:$0x1], $0xffff;
	(pc) =	sbr.rel @p0 .LBB2_11-.Ltmp4, $4  }
0xc4: {  	v20 =	vld.idx.msk [tilespmem:v6+s23+$0xFFFFFFD0 ss:$0x1], $0xffff  }
0xc5: {  	v19 =	vld.idx.msk [tilespmem:v5+s23+$0xFFFFFFB0 ss:$0x1], $0xffff  }
0xc6: {  	v21 =	vld.idx.msk [tilespmem:v6+s23+$0xFFFFFFE0 ss:$0x1], $0xffff  }
0xc7: {  	s24 =	sadd.s32 $0x200, s24;
	v22 =	vld.idx.msk [tilespmem:v5+s23+$0xFFFFFFC0 ss:$0x1], $0xffff  }
0xc8: {  	_ =	sdelay $0x3  }
0xc9: {  	v23 =	vld.idx.msk [tilespmem:v6+s23+$0xFFFFFFF0 ss:$0x1], $0xffff  }
0xca: {  	v5 =	vld.idx.msk [tilespmem:v5+s23+$0x0 ss:$0x1], $0xffff  }
0xcb: {  	v54 =	vld.idx.msk [tilespmem:v6+s23+$0x30 ss:$0x1], $0xffff  }
0xcc: {  	v8 =	vmul.f32 v8, v16;
	v9 =	vmul.f32 v10, v9  }
0xcd: {  	v55 =	vmul.f32 v17, v15;
	v56 =	vmul.f32 v20, v18  }
0xce: {  	v57 =	vmul.f32 v21, v19;
	v58 =	vmul.f32 v23, v22  }
0xcf: {  	v4 =	vmul.f32 v7, v4;
	v10 =	vadd.f32 v55, v11;
	v59 =	vadd.f32 v56, v14  }
0xd0: {  	v60 =	vadd.f32 v57, v12;
	v5 =	vmul.f32 v54, v5;
	v61 =	vadd.f32 v58, v13  }
0xd1: {  	v62 =	vadd.f32 v8, v10;
	v63 =	vadd.f32 v9, v59  }
0xd2: {  	v4 =	vadd.f32 v4, v60;
	v5 =	vadd.f32 v5, v61;
	_ =	sdelay $0x1  }
0xd3: {  	v6 =	vadd.f32 v63, v62;
	v4 =	vadd.f32 v5, v4;
	_ =	sdelay $0x1  }
0xd4: {  	v4 =	vadd.f32 v4, v6;
	_ =	sdelay $0x1  }
0xd5: {  	[tilespmem:$0x80] =	vst v4  }
0xd6: {  	v5 =	vld [tilespmem:$0x88];
	_ =	sdelay $0x4  }
0xd7: {  	v4 =	vadd.f32 v5, v4;
	_ =	sdelay $0x1  }
0xd8: {  	[tilespmem:$0x80] =	vst v4  }
0xd9: {  	v5 =	vld [tilespmem:$0x84];
	_ =	sdelay $0x4  }
0xda: {  	v4 =	vadd.f32 v5, v4;
	_ =	sdelay $0x1  }
0xdb: {  	[tilespmem:$0x80] =	vst v4  }
0xdc: {  	v5 =	vld [tilespmem:$0x82];
	_ =	sdelay $0x4  }
0xdd: {  	v4 =	vadd.f32 v5, v4;
	_ =	sdelay $0x1  }
0xde: {  	[tilespmem:$0x80] =	vst v4  }
0xdf: {  	v5 =	vld [tilespmem:$0x81];
	_ =	sdelay $0x4  }
0xe0: {  	v4 =	vadd.f32 v5, v4;
	_ =	sdelay $0x1  }
0xe1: {  	v5 =	vld [tilespmem:s20+$0x0];
	v4 =	vadd.f32 $6.000000240e-01, v4  }
0xe2: {  	s20 =	sadd.s32 $0x1, s20  }
0xe3: {  	p0 =	sne.s32 s20, $0x8;
	v4 =	vmax.f32 v4, $0.0e+00  }
.Ltmp5:
0xe4: {  	v4 =	vmul.f32 v1, v4;
	(pc) =	sbr.rel @p0 .LBB2_10-.Ltmp5, $3  }
0xe5: {  	_ = 	snop  }
0xe6: {  	v4 =	vmul.f32 v4, v5;
	_ =	sdelay $0x1  }
0xe7: {  	s21 =	sadd.s32 $0x800, s21;
	s22 =	sadd.s32 $0x800, s22;
	v3 =	vadd.f32 v4, v3  }
0xe8: {  	_ =	swait.ge [sflag:s17], $0x4000  }
0xe9: {  	s20 =	simm.s32 $0x0;
	[sflag:s17] =	ssyncset.done $0x0  }
0xea: {  	s21 =	simm.s32 $0x140;
	s22 =	simm.s32 $0x8170;
	[sflag:s17] =	ssyncadd.s32 $0xFFFFC000  }
.LBB2_14:
0xeb: {  	v5 =	vmov s22  }
0xec: {  	v6 =	vmov s21;
	_ =	sdelay $0x2  }
0xed: {  	s23 =	simm.s32 $0x0  }
0xee: {  	v16 =	vld.idx.msk [tilespmem:v5+s23+$0xFFFFFFD0 ss:$0x1], $0xffff  }
0xef: {  	v8 =	vld.idx.msk [tilespmem:v6+s23+$0x0 ss:$0x1], $0xffff  }
0xf0: {  	v9 =	vld.idx.msk [tilespmem:v5+s23+$0xFFFFFFE0 ss:$0x1], $0xffff  }
0xf1: {  	v10 =	vld.idx.msk [tilespmem:v6+s23+$0x10 ss:$0x1], $0xffff  }
0xf2: {  	v4 =	vld.idx.msk [tilespmem:v5+s23+$0xFFFFFFF0 ss:$0x1], $0xffff  }
0xf3: {  	v7 =	vld.idx.msk [tilespmem:v6+s23+$0x20 ss:$0x1], $0xffff  }
0xf4: {  	v15 =	vld.idx.msk [tilespmem:v5+s23+$0xFFFFFF90 ss:$0x1], $0xffff  }
0xf5: {  	v17 =	vld.idx.msk [tilespmem:v6+s23+$0xFFFFFFC0 ss:$0x1], $0xffff  }
0xf6: {  	v18 =	vld.idx.msk [tilespmem:v5+s23+$0xFFFFFFA0 ss:$0x1], $0xffff  }
0xf7: {  	v20 =	vld.idx.msk [tilespmem:v6+s23+$0xFFFFFFD0 ss:$0x1], $0xffff  }
0xf8: {  	v19 =	vld.idx.msk [tilespmem:v5+s23+$0xFFFFFFB0 ss:$0x1], $0xffff  }
0xf9: {  	v11 =	vimm.f32 $0.0e+00;
	v21 =	vld.idx.msk [tilespmem:v6+s23+$0xFFFFFFE0 ss:$0x1], $0xffff  }
0xfa: {  	s24 =	simm.s32 $0x200;
	v14 =	vimm.f32 $0.0e+00;
	v12 =	vimm.f32 $0.0e+00;
	v13 =	vimm.f32 $0.0e+00;
	v22 =	vld.idx.msk [tilespmem:v5+s23+$0xFFFFFFC0 ss:$0x1], $0xffff  }
.LBB2_15:
0xfb: {  	p0 =	sne.s32 s24, $0x1E00;
	v23 =	vld.idx.msk [tilespmem:v6+s23+$0xFFFFFFF0 ss:$0x1], $0xffff  }
0xfc: {  	v24 =	vld.idx.msk [tilespmem:v5+s23+$0x0 ss:$0x1], $0xffff  }
0xfd: {  	v25 =	vld.idx.msk [tilespmem:v6+s23+$0x30 ss:$0x1], $0xffff;
	s23 =	sshra.s32 s24, $0x2  }
0xfe: {  	v26 =	vld.idx.msk [tilespmem:v5+s23+$0xFFFFFFD0 ss:$0x1], $0xffff  }
0xff: {  	v16 =	vmul.f32 v8, v16;
	v27 =	vmul.f32 v10, v9;
	v8 =	vld.idx.msk [tilespmem:v6+s23+$0x0 ss:$0x1], $0xffff  }
0x100: {  	v15 =	vmul.f32 v17, v15;
	v17 =	vmul.f32 v20, v18;
	v9 =	vld.idx.msk [tilespmem:v5+s23+$0xFFFFFFE0 ss:$0x1], $0xffff  }
0x101: {  	v18 =	vmul.f32 v21, v19;
	v19 =	vmul.f32 v23, v22;
	v10 =	vld.idx.msk [tilespmem:v6+s23+$0x10 ss:$0x1], $0xffff  }
0x102: {  	v20 =	vmul.f32 v7, v4;
	v11 =	vadd.f32 v15, v11;
	v14 =	vadd.f32 v17, v14;
	v4 =	vld.idx.msk [tilespmem:v5+s23+$0xFFFFFFF0 ss:$0x1], $0xffff  }
0x103: {  	v12 =	vadd.f32 v18, v12;
	v13 =	vadd.f32 v19, v13;
	v18 =	vmul.f32 v25, v24;
	v7 =	vld.idx.msk [tilespmem:v6+s23+$0x20 ss:$0x1], $0xffff  }
0x104: {  	v11 =	vadd.f32 v16, v11;
	v14 =	vadd.f32 v27, v14;
	v16 =	vmov v26;
	v15 =	vld.idx.msk [tilespmem:v5+s23+$0xFFFFFF90 ss:$0x1], $0xffff  }
0x105: {  	v12 =	vadd.f32 v20, v12;
	v13 =	vadd.f32 v18, v13;
	v17 =	vld.idx.msk [tilespmem:v6+s23+$0xFFFFFFC0 ss:$0x1], $0xffff  }
.Ltmp6:
0x106: {  	v18 =	vld.idx.msk [tilespmem:v5+s23+$0xFFFFFFA0 ss:$0x1], $0xffff;
	(pc) =	sbr.rel @p0 .LBB2_15-.Ltmp6, $4  }
0x107: {  	v20 =	vld.idx.msk [tilespmem:v6+s23+$0xFFFFFFD0 ss:$0x1], $0xffff  }
0x108: {  	v19 =	vld.idx.msk [tilespmem:v5+s23+$0xFFFFFFB0 ss:$0x1], $0xffff  }
0x109: {  	v21 =	vld.idx.msk [tilespmem:v6+s23+$0xFFFFFFE0 ss:$0x1], $0xffff  }
0x10a: {  	s24 =	sadd.s32 $0x200, s24;
	v22 =	vld.idx.msk [tilespmem:v5+s23+$0xFFFFFFC0 ss:$0x1], $0xffff  }
0x10b: {  	_ =	sdelay $0x3  }
0x10c: {  	v23 =	vld.idx.msk [tilespmem:v6+s23+$0xFFFFFFF0 ss:$0x1], $0xffff  }
0x10d: {  	v5 =	vld.idx.msk [tilespmem:v5+s23+$0x0 ss:$0x1], $0xffff  }
0x10e: {  	v54 =	vld.idx.msk [tilespmem:v6+s23+$0x30 ss:$0x1], $0xffff  }
0x10f: {  	v8 =	vmul.f32 v8, v16;
	v9 =	vmul.f32 v10, v9  }
0x110: {  	v55 =	vmul.f32 v17, v15;
	v56 =	vmul.f32 v20, v18  }
0x111: {  	v57 =	vmul.f32 v21, v19;
	v58 =	vmul.f32 v23, v22  }
0x112: {  	v4 =	vmul.f32 v7, v4;
	v10 =	vadd.f32 v55, v11;
	v59 =	vadd.f32 v56, v14  }
0x113: {  	v60 =	vadd.f32 v57, v12;
	v5 =	vmul.f32 v54, v5;
	v61 =	vadd.f32 v58, v13  }
0x114: {  	v62 =	vadd.f32 v8, v10;
	v63 =	vadd.f32 v9, v59  }
0x115: {  	v4 =	vadd.f32 v4, v60;
	v5 =	vadd.f32 v5, v61;
	_ =	sdelay $0x1  }
0x116: {  	v6 =	vadd.f32 v63, v62;
	v4 =	vadd.f32 v5, v4;
	_ =	sdelay $0x1  }
0x117: {  	v4 =	vadd.f32 v4, v6;
	_ =	sdelay $0x1  }
0x118: {  	[tilespmem:$0x80] =	vst v4  }
0x119: {  	v5 =	vld [tilespmem:$0x88];
	_ =	sdelay $0x4  }
0x11a: {  	v4 =	vadd.f32 v5, v4;
	_ =	sdelay $0x1  }
0x11b: {  	[tilespmem:$0x80] =	vst v4  }
0x11c: {  	v5 =	vld [tilespmem:$0x84];
	_ =	sdelay $0x4  }
0x11d: {  	v4 =	vadd.f32 v5, v4;
	_ =	sdelay $0x1  }
0x11e: {  	[tilespmem:$0x80] =	vst v4  }
0x11f: {  	v5 =	vld [tilespmem:$0x82];
	_ =	sdelay $0x4  }
0x120: {  	v4 =	vadd.f32 v5, v4;
	_ =	sdelay $0x1  }
0x121: {  	[tilespmem:$0x80] =	vst v4  }
0x122: {  	v5 =	vld [tilespmem:$0x81];
	_ =	sdelay $0x4  }
0x123: {  	v4 =	vadd.f32 v5, v4;
	_ =	sdelay $0x1  }
0x124: {  	v5 =	vld [tilespmem:s20+$0x0];
	v4 =	vadd.f32 $6.000000240e-01, v4  }
0x125: {  	s20 =	sadd.s32 $0x1, s20  }
0x126: {  	p0 =	sne.s32 s20, $0x8;
	v4 =	vmax.f32 v4, $0.0e+00  }
.Ltmp7:
0x127: {  	v4 =	vmul.f32 v1, v4;
	(pc) =	sbr.rel @p0 .LBB2_14-.Ltmp7, $3  }
0x128: {  	_ = 	snop  }
0x129: {  	v4 =	vmul.f32 v4, v5;
	_ =	sdelay $0x1  }
0x12a: {  	s21 =	sadd.s32 $0x800, s21;
	s22 =	sadd.s32 $0x800, s22;
	v3 =	vadd.f32 v4, v3  }
0x12b: {  	s19 =	sadd.s32 $0x1, s19  }
0x12c: {  	p0 =	sne.s32 s19, s10  }
.Ltmp8:
0x12d: {  	[tilespmem:$0xC100] =	vst v3;
	(pc) =	sbr.rel @p0 .LBB2_1-.Ltmp8, $4  }
0x12e: {  	[hbm4b:s9+s2] =	stream.linear.scatter [tilespmem:s18], [sflag:$0x4], $0x80, $0x38;
	[tilespmem:$0xC180] =	vst v63  }
0x12f: {  	_ =	swait.ge [sflag:s11], $0x80  }
0x130: {  	[sflag:s11] =	ssyncset.done $0x0  }
0x131: {  	[sflag:s11] =	ssyncadd.s32 $0xFFFFFF80  }
0x132: {  	_ =	sfence.sel $0x180000  }
0x133: {  	[bflag:$0x0] =	sbarrier.arrive $0xFFFF  }
0x134: {  	p0 =	sne.s32 s1, $0x0;
	_ =	strace $0x9000004A  }
0x135: {  	s0 =	sadd.s32 @!p0 $0x100000, s0;
	[bflag:$0x2] =	sbarrier.arrive $0xFFFF  }
0x136: {  	[sflag:s0] =	ssyncadd.tile.s32 @!p0 $0x1;
	_ =	shalt  }
.Lfunc_end2:
_tile_overlayer_lowered:
.L_overlay_start_2:
0x137: {  	(tag) =	ssettag $0x2  }
0x138: {  	s0 =	rddreg [dreg:$0x0];
	s2 =	stileid.u32  }
0x139: {  	s1 =	rddreg [dreg:$0x1];
	p0 =	sne.s32 s2, $0x0  }
0x13a: {  	s3 =	rddreg [dreg:$0x2];
	[bflag:$0x3] =	sbarrier.arrive $0xFFFF;
	s2 =	simm.s32 @!p0 $0x1C04  }
0x13b: {  	[timem:s3], [sflag:s2] =	dma.local @!p0 [hbm:s0], s1  }
0x13c: {  	s0 =	simm.s32 @!p0 $0x4  }
0x13d: {  	_ =	swait.ge @!p0 [sflag:s0], s1  }
0x13e: {  	s1 =	ssub.s32 @!p0 $0x0, s1;
	[sflag:s0] =	ssyncset.done @!p0 $0x0  }
0x13f: {  	[sflag:s0] =	ssyncadd.s32 @!p0 s1  }
0x140: {  	[bflag:$0x3] =	sbarrier.arrive $0xFFFF  }
0x141: {  	_ =	shalt  }

// kernel: sparse-core-data-format-call.cloned.1.call-start
scs
called_computation_lowered:
.L_overlay_start_0:
0x0: {  	s2 =	sld [smem:$0x3FD9]  }
0x1: {  	s3 =	sld [smem:$0x3FFE];
	_ =	sdelay $0x1  }
0x2: {  	s1 =	srdreg.scid  }
0x3: {  	s0 =	sand.u32 $0x1, s1  }
0x4: {  	s18 =	sshll.u32 s0, $0xA;
	s2 =	sadd.s32 s3, s2  }
0x5: {  	s2 =	sadd.s32 s2, s18  }
0x6: {  	[smem:$0x3FC4] =	sst s2  }
0x7: {  	_ = 	snop  }
0x8: {  	s2 =	sld [smem:$0x3FC6];
	(tm) =	ssettm $0x1  }
0x9: {  	s19 =	sld [smem:$0x3FFB];
	_ =	sdelay $0x3  }
0xa: {  	_ =	strace s19  }
0xb: {  	s3 =	sld [smem:$0x3FFC];
	_ =	sdelay $0x3  }
0xc: {  	_ =	strace s3  }
0xd: {  	s3 =	sld [smem:$0x3FFD];
	_ =	sdelay $0x3  }
0xe: {  	_ =	strace s3  }
0xf: {  	_ =	strace $0x8FFFFFFF  }
0x10: {  	s20 =	sld [smem:$0x3FDB];
	_ =	sdelay $0x1  }
0x11: {  	s4 =	simm.s32 $_scs_section_size  }
0x12: {  	s5 =	simm.s32 $_size__tile_overlayer_lowered;
	s6 =	simm.s32 $_tile_overlayer_lowered  }
0x13: {  	s23 =	simm.s32 $0x1BFF;
	s22 =	sshll.u32 s6, $0x1;
	s3 =	sadd.s32 s4, s20  }
0x14: {  	s7 =	simm.s32 $0x0;
	s21 =	sshll.u32 s5, $0x1;
	s5 =	sadd.s32 s22, s3  }
0x15: {  	[timem:s7], [sflag:s23] =	dma.local [hbm:s5], s21  }
0x16: {  	_ =	swait.ge [sflag:s23], s21  }
0x17: {  	s4 =	ssub.s32 $0x0, s21;
	[sflag:s23] =	ssyncset.done $0x0  }
0x18: {  	[sflag:s23] =	ssyncadd.s32 s4;
	_ =	sdelay $0x1  }
0x19: {  	s24 =	simm.s32 $0x1B8B  }
0x1a: {  	_ =	swait.ge [sflag:s24], $0x1  }
0x1b: {  	[sflag:s24] =	ssyncset.done $0x0  }
0x1c: {  	s26 =	simm.s32 $0x1B8E;
	s25 =	sld [smem:$0x3FFE];
	[sflag:s24] =	ssyncadd.s32 $0xFFFFFFFF  }
0x1d: {  	s27 =	simm.s32 $execute0_lowered;
	[smem:$0x3FD2] =	sst s26  }
0x1e: {  	s5 =	sshll.u32 s27, $0x1;
	_ =	strace $0x80000046;
	[dreg:$0x1] =	wrdreg $0xFFFFFFFF  }
0x1f: {  	s28 =	simm.s32 $_size_execute0_lowered;
	s3 =	sadd.s32 s3, s5;
	[dreg:$0x0] =	wrdreg $0x0  }
0x20: {  	s5 =	sshll.u32 s28, $0x1;
	[dreg:$0x2] =	wrdreg s3  }
0x21: {  	[dreg:$0x3] =	wrdreg s5  }
0x22: {  	[dreg:$0x4] =	wrdreg $0xC0  }
0x23: {  	_ =	task [dreg:s7], $0x5FFFF  }
0x24: {  	[dreg:$0x1] =	wrdreg $0xFFFFFFFF  }
0x25: {  	[dreg:$0x0] =	wrdreg $0x60  }
0x26: {  	[dreg:$0x2] =	wrdreg s2  }
0x27: {  	[dreg:$0x3] =	wrdreg s25  }
0x28: {  	[dreg:$0x4] =	wrdreg $0x9  }
0x29: {  	_ =	task.clear_ibuf [dreg:s7], $0x5FFFF;
	_ =	strace $0x90000046  }
0x2a: {  	s29 =	simm.s32 $0x9;
	_ =	strace $0x80000048  }
0x2b: {  	_ =	swait.ge [sflag:s29], $0x1  }
0x2c: {  	[sflag:s29] =	ssyncadd.s32 $0xFFFFFFFF  }
0x2d: {  	_ =	strace $0x90000048  }
0x2e: {  	_ =	sfence  }
0x2f: {  	s30 =	sld [smem:$0x0];
	_ =	sdelay $0x2  }
0x30: {  	s31 =	sshll.u32 s1, $0xD;
	s1 =	sshrl.u32 s1, $0x2  }
0x31: {  	s3 =	sand.u32 $0x4000, s31;
	s1 =	sadd.s32 s1, s30  }
0x32: {  	s0 =	sor.u32 s3, s0;
	s1 =	sshll.u32 s1, $0x11  }
0x33: {  	s0 =	sor.u32 s1, s0  }
0x34: {  	s0 =	sadd.s32 $0x8F2B, s0  }
0x35: {  	[sflag:s0] =	ssyncadd.remote.s32 $0x1  }
0x36: {  	_ =	sfence.sel $0xFFFF  }
0x37: {  	[dreg:$0x0] =	wrdreg $0xFFFFFFFF;
	(pc) =	sbr.abs _section_cstart, $3  }
0x38: {  	[dreg:$0x1] =	wrdreg $0xFFFFFFFF  }
0x39: {  	_ =	task.clear_ibuf [dreg:s7], $0x2FFFF;
	_ =	strace $0x9FFFFFFF  }
0x3a: {  	(tm) =	ssettm $0x7FFFFFFF  }
0x3b: {  	_ =	shalt  }
tec
execute0_lowered:
.L_overlay_start_1:
0x0: {  	(tag) =	ssettag $0x1  }
0x1: {  	s2 =	rddreg [dreg:$0x0]  }
0x2: {  	s1 =	rddreg [dreg:$0x1]  }
0x3: {  	s0 =	rddreg [dreg:$0x2];
	_ =	strace $0x80000047;
	s4 =	srdreg.scid  }
.Ltmp0:
0x4: {  	s6 =	simm.s32 $0x2;
	p0 =	por $0x0, $0x0;
	(pc) =	sbr.rel .LBB1_1-.Ltmp0, $4  }
0x5: {  	s9 =	simm.s32 $0x0;
	s3 =	sadd.s32 $0x1E00, s1;
	s5 =	sshll.u32 s4, $0x4  }
0x6: {  	s1 =	stileid.u32;
	s4 =	simm.s32 $0x1;
	s5 =	sand.u32 $0x10, s5  }
0x7: {  	s7 =	simm.s32 $0x0;
	[sflag:s4] =	ssyncpa.u1 $0x0;
	s5 =	sor.u32 s1, s5  }
0x8: {  	[sflag:s6] =	ssyncpa.u1 $0x0;
	s6 =	simm.s32 $0x0;
	s8 =	smov.u32 s5  }
.LBB1_7:
0x9: {  	s11 =	sadd.s32 $0x20, s8  }
0xa: {  	p1 =	slt.u32 s7, $0x2;
	s7 =	sadd.s32 $0x1, s7;
	p2 =	sgt.s32 s11, $0x3FF  }
0xb: {  	s11 =	smov.u32 @p2 s5;
	p2 =	sne.s32 s7, $0x22  }
.Ltmp1:
0xc: {  	_ = 	snop;
	(pc) =	sbr.rel @!p2 .LBB1_8-.Ltmp1, $4  }
0xd: {  	s10 =	simm.s32 @!p1 $0x2  }
0xe: {  	_ =	swait.ge @!p1 [sflag:s10], $0x4000  }
0xf: {  	s9 =	smov.u32 s8;
	[sflag:s10] =	ssyncset.done @!p1 $0x0  }
0x10: {  	p0 =	por !p0, !p0;
	s8 =	smov.u32 s11;
	[sflag:s10] =	ssyncadd.s32 @!p1 $0xFFFFC000  }
.LBB1_1:
0x11: {  	p1 =	sgt.u32 s7, $0x1F  }
0x12: {  	s10 =	sxor.u32 @!p1 $0xFFFFFFFF, s7  }
0x13: {  	s11 =	sshll.u32 @!p1 s8, $0xB;
	s10 =	sshll.u32 @!p1 s10, $0xE  }
0x14: {  	s12 =	simm.s32 @!p1 $0x0;
	s11 =	sadd.s32 @!p1 s2, s11;
	s10 =	sand.u32 @!p1 $0x4000, s10  }
0x15: {  	[tilespmem:s10], [sflag:$0x1] =	stream.linear.gather @!p1 [hbm4b:s11+s12], $0x4000, $0x38;
	[tilespmem:$0x10000] =	vst v63  }
0x16: {  	p1 =	seq.s32 s7, $0x0  }
0x17: {  	p2 =	seq.s32 @!p1 s7, $0x21  }
0x18: {  	p1 =	por p1, p2  }
.Ltmp2:
0x19: {  	_ = 	snop;
	(pc) =	sbr.rel @p1 .LBB1_7-.Ltmp2, $1  }
0x1a: {  	_ =	sdelay $0x3  }
0x1b: {  	s10 =	simm.s32 $0x1;
	_ =	swait.ge [sflag:s4], $0x4000;
	s12 =	sshll.u32 s7, $0xE  }
0x1c: {  	s13 =	simm.s32 $0x0;
	s10 =	simm.s32 @!p0 $0x0;
	[sflag:s4] =	ssyncset.done $0x0  }
0x1d: {  	s12 =	sand.u32 $0x4000, s12;
	s11 =	sshll.u32 s10, $0xE;
	[sflag:s4] =	ssyncadd.s32 $0xFFFFC000  }
0x1e: {  	s12 =	sor.u32 $0x8000, s12;
	s10 =	sor.u32 $0x8040, s11;
	s11 =	sor.u32 $0x40, s11  }
.LBB1_3:
0x1f: {  	v0 =	vmov s11;
	_ =	sdelay $0x3  }
0x20: {  	s15 =	simm.s32 $0x0  }
0x21: {  	v6 =	vld.idx.msk [tilespmem:v0+s15+$0x30 ss:$0x1], $0xffff  }
0x22: {  	v7 =	vld.idx.msk [tilespmem:v0+s15+$0xFFFFFFC0 ss:$0x1], $0xffff  }
0x23: {  	v5 =	vld.idx.msk [tilespmem:v0+s15+$0xFFFFFFD0 ss:$0x1], $0xffff  }
0x24: {  	v4 =	vld.idx.msk [tilespmem:v0+s15+$0xFFFFFFE0 ss:$0x1], $0xffff  }
0x25: {  	v3 =	vld.idx.msk [tilespmem:v0+s15+$0xFFFFFFF0 ss:$0x1], $0xffff  }
0x26: {  	v1 =	vld.idx.msk [tilespmem:v0+s15+$0x0 ss:$0x1], $0xffff  }
0x27: {  	v2 =	vld.idx.msk [tilespmem:v0+s15+$0x10 ss:$0x1], $0xffff;
	[tilespmem:s10+$0x30] =	vst v6  }
0x28: {  	s14 =	simm.s32 $0x80;
	s16 =	simm.s32 $0x400;
	[tilespmem:s10+$0xFFFFFFC0] =	vst v7;
	v6 =	vld.idx.msk [tilespmem:v0+s15+$0x20 ss:$0x1], $0xffff;
	s15 =	smov.u32 s10  }
.LBB1_4:
0x29: {  	p1 =	sne.s32 s16, $0xE00;
	v7 =	vld.idx.msk [tilespmem:v0+s14+$0x30 ss:$0x1], $0xffff;
	[tilespmem:s15+$0xFFFFFFD0] =	vst v5  }
0x2a: {  	v8 =	vld.idx.msk [tilespmem:v0+s14+$0xFFFFFFC0 ss:$0x1], $0xffff;
	[tilespmem:s15+$0xFFFFFFE0] =	vst v4  }
0x2b: {  	v5 =	vld.idx.msk [tilespmem:v0+s14+$0xFFFFFFD0 ss:$0x1], $0xffff;
	[tilespmem:s15+$0xFFFFFFF0] =	vst v3  }
.Ltmp3:
0x2c: {  	v4 =	vld.idx.msk [tilespmem:v0+s14+$0xFFFFFFE0 ss:$0x1], $0xffff;
	[tilespmem:s15+$0x0] =	vst v1;
	(pc) =	sbr.rel @p1 .LBB1_4-.Ltmp3, $4  }
0x2d: {  	v3 =	vld.idx.msk [tilespmem:v0+s14+$0xFFFFFFF0 ss:$0x1], $0xffff;
	[tilespmem:s15+$0x10] =	vst v2  }
0x2e: {  	v1 =	vld.idx.msk [tilespmem:v0+s14+$0x0 ss:$0x1], $0xffff;
	[tilespmem:s15+$0x20] =	vst v6;
	s15 =	sadd.s32 $0x800, s15  }
0x2f: {  	v2 =	vld.idx.msk [tilespmem:v0+s14+$0x10 ss:$0x1], $0xffff;
	[tilespmem:s15+$0x30] =	vst v7  }
0x30: {  	[tilespmem:s15+$0xFFFFFFC0] =	vst v8;
	v6 =	vld.idx.msk [tilespmem:v0+s14+$0x20 ss:$0x1], $0xffff;
	s14 =	sshra.s32 s16, $0x2;
	s16 =	sadd.s32 $0x200, s16  }
0x31: {  	_ =	sdelay $0x2  }
0x32: {  	[tilespmem:s15+$0xFFFFFFD0] =	vst v5  }
0x33: {  	v56 =	vld.idx.msk [tilespmem:v0+s14+$0x30 ss:$0x1], $0xffff;
	[tilespmem:s15+$0xFFFFFFE0] =	vst v4  }
0x34: {  	v57 =	vld.idx.msk [tilespmem:v0+s14+$0xFFFFFFC0 ss:$0x1], $0xffff;
	[tilespmem:s15+$0xFFFFFFF0] =	vst v3  }
0x35: {  	v58 =	vld.idx.msk [tilespmem:v0+s14+$0xFFFFFFD0 ss:$0x1], $0xffff;
	[tilespmem:s15+$0x0] =	vst v1  }
0x36: {  	v59 =	vld.idx.msk [tilespmem:v0+s14+$0xFFFFFFE0 ss:$0x1], $0xffff;
	[tilespmem:s15+$0x10] =	vst v2  }
0x37: {  	v60 =	vld.idx.msk [tilespmem:v0+s14+$0xFFFFFFF0 ss:$0x1], $0xffff;
	s31 =	sadd.s32 $0x800, s15;
	[tilespmem:s15+$0x20] =	vst v6  }
0x38: {  	v61 =	vld.idx.msk [tilespmem:v0+s14+$0x0 ss:$0x1], $0xffff;
	[tilespmem:s31+$0x30] =	vst v56  }
0x39: {  	v62 =	vld.idx.msk [tilespmem:v0+s14+$0x10 ss:$0x1], $0xffff;
	s13 =	sadd.s32 $0x1, s13;
	[tilespmem:s31+$0xFFFFFFC0] =	vst v57  }
0x3a: {  	v63 =	vld.idx.msk [tilespmem:v0+s14+$0x20 ss:$0x1], $0xffff;
	p1 =	sne.s32 s13, $0x10;
	[tilespmem:s31+$0xFFFFFFD0] =	vst v58  }
.Ltmp4:
0x3b: {  	[tilespmem:s31+$0xFFFFFFE0] =	vst v59;
	(pc) =	sbr.rel @p1 .LBB1_3-.Ltmp4, $4  }
0x3c: {  	[tilespmem:s31+$0xFFFFFFF0] =	vst v60  }
0x3d: {  	[tilespmem:s31+$0x0] =	vst v61  }
0x3e: {  	[tilespmem:s31+$0x10] =	vst v62  }
0x3f: {  	s10 =	sadd.s32 $0x80, s10;
	s11 =	sadd.s32 $0x400, s11;
	[tilespmem:s31+$0x20] =	vst v63  }
.Ltmp5:
0x40: {  	(pc) =	sbr.rel .LBB1_7-.Ltmp5, $4  }
0x41: {  	_ = 	snop  }
0x42: {  	s9 =	sshll.u32 s9, $0xB  }
0x43: {  	s9 =	sadd.s32 s3, s9  }
0x44: {  	[hbm4b:s9+s6] =	stream.linear.scatter [tilespmem:s12], [sflag:$0x2], $0x4000, $0x38;
	[tilespmem:$0x10000] =	vst v63  }
.LBB1_8:
0x45: {  	_ =	sfence.sel $0x180000  }
0x46: {  	s2 =	simm.s32 $0x1;
	[bflag:$0x0] =	sbarrier.arrive $0xFFFF  }
0x47: {  	s31 =	simm.s32 $0x2;
	[sflag:s2] =	ssyncpa.u1 $0x1  }
0x48: {  	[sflag:s31] =	ssyncpa.u1 $0x1  }
0x49: {  	p0 =	sne.s32 s1, $0x0;
	_ =	strace $0x90000047  }
0x4a: {  	s0 =	sadd.s32 @!p0 $0x100000, s0;
	[bflag:$0x2] =	sbarrier.arrive $0xFFFF  }
0x4b: {  	[sflag:s0] =	ssyncadd.tile.s32 @!p0 $0x1;
	_ =	shalt  }
.Lfunc_end1:
_tile_overlayer_lowered:
.L_overlay_start_2:
0x4c: {  	(tag) =	ssettag $0x2  }
0x4d: {  	s0 =	rddreg [dreg:$0x0];
	s2 =	stileid.u32  }
0x4e: {  	s1 =	rddreg [dreg:$0x1];
	p0 =	sne.s32 s2, $0x0  }
0x4f: {  	s3 =	rddreg [dreg:$0x2];
	[bflag:$0x3] =	sbarrier.arrive $0xFFFF;
	s2 =	simm.s32 @!p0 $0x1C01  }
0x50: {  	[timem:s3], [sflag:s2] =	dma.local @!p0 [hbm:s0], s1  }
0x51: {  	s0 =	simm.s32 @!p0 $0x1  }
0x52: {  	_ =	swait.ge @!p0 [sflag:s0], s1  }
0x53: {  	s1 =	ssub.s32 @!p0 $0x0, s1;
	[sflag:s0] =	ssyncset.done @!p0 $0x0  }
0x54: {  	[sflag:s0] =	ssyncadd.s32 @!p0 s1  }
0x55: {  	[bflag:$0x3] =	sbarrier.arrive $0xFFFF  }
0x56: {  	_ =	shalt  }

</sc_bundles>
